<compile_context>
chip_gen: v7x
topology: tpu7x:2x2x1
jax: 0.10.2.dev20260603
libtpu: 0.0.44.dev20260713+nightly
codegen_flags: <defaults>
</compile_context>

<pallas_src>
import jax
import jax.numpy as jnp
from jax import lax
from jax.experimental import pallas as pl
from jax.experimental.pallas import tpu as pltpu
from jax.experimental.pallas import tpu_sc as plsc

L = 16
NC, NS = 2, 16
NW = NC * NS
ROWS, COLS, D = 16384, 200, 5
WI = ROWS // NW
BJ = 8
NCH = COLS // BJ
VPC = BJ * (WI // L)


def _sc_lookup(xt_hbm, tbl_hbm, y_hbm, x_v0, x_v1, y_v0, y_v1, tbl_v,
               in_s0, in_s1, out_s0, out_s1):
    wid = lax.axis_index("s") * NC + lax.axis_index("c")
    i0 = wid * WI
    pltpu.sync_copy(tbl_hbm, tbl_v)
    t0 = [tbl_v[d] for d in range(D)]
    t1 = [tbl_v[D + d] for d in range(D)]
    x_bufs, y_bufs = (x_v0, x_v1), (y_v0, y_v1)
    in_sems, out_sems = (in_s0, in_s1), (out_s0, out_s1)

    def x_slice(c):
        return xt_hbm.at[pl.ds(c * BJ, BJ), pl.ds(i0, WI)]

    def y_slice(c):
        return y_hbm.at[:, pl.ds(c * BJ, BJ), pl.ds(i0, WI)]

    def compute(x_v, y_v):
        @plsc.parallel_loop(0, VPC, unroll=4)
        def _vec(g):
            r = g >> 5
            col = (g & 31) * L
            m = x_v[r, pl.ds(col, L)] == 0
            for d in range(D):
                y_v[d, r, pl.ds(col, L)] = jnp.where(m, t0[d], t1[d])

    pltpu.async_copy(x_slice(0), x_v0, in_s0)
    pltpu.async_copy(x_slice(1), x_v1, in_s1)

    def pair(p, carry):
        c0 = 2 * p
        c1 = c0 + 1
        pltpu.make_async_copy(x_slice(c0), x_v0, in_s0).wait()

        @pl.when(p > 0)
        def _():
            pltpu.make_async_copy(y_v0, y_slice(c0 - 2), out_s0).wait()
        compute(x_v0, y_v0)
        pltpu.async_copy(y_v0, y_slice(c0), out_s0)
        pltpu.async_copy(x_slice(c0 + 2), x_v0, in_s0)

        pltpu.make_async_copy(x_slice(c1), x_v1, in_s1).wait()

        @pl.when(p > 0)
        def _():
            pltpu.make_async_copy(y_v1, y_slice(c1 - 2), out_s1).wait()
        compute(x_v1, y_v1)
        pltpu.async_copy(y_v1, y_slice(c1), out_s1)

        @pl.when(p < NCH // 2 - 1)
        def _():
            pltpu.async_copy(x_slice(c1 + 2), x_v1, in_s1)
        return carry

    lax.fori_loop(0, NCH // 2, pair, 0)

    pltpu.make_async_copy(x_slice(NCH - 1), x_v0, in_s0).wait()
    pltpu.make_async_copy(y_v0, y_slice(NCH - 3), out_s0).wait()
    compute(x_v0, y_v0)
    pltpu.async_copy(y_v0, y_slice(NCH - 1), out_s0)

    pltpu.make_async_copy(y_v1, y_slice(NCH - 2), out_s1).wait()
    pltpu.make_async_copy(y_v0, y_slice(NCH - 1), out_s0).wait()


def kernel(x, table):
    xt = x.T
    tbl_splat = jnp.broadcast_to(
        table.reshape(2 * D)[:, None], (2 * D, L)).astype(jnp.float32)
    mesh = plsc.VectorSubcoreMesh(core_axis_name="c", subcore_axis_name="s")
    y = pl.kernel(
        _sc_lookup,
        out_type=jax.ShapeDtypeStruct((D, COLS, ROWS), jnp.float32),
        mesh=mesh,
        compiler_params=pltpu.CompilerParams(needs_layout_passes=False),
        scratch_types=[
            pltpu.VMEM((BJ, WI), jnp.int32),
            pltpu.VMEM((BJ, WI), jnp.int32),
            pltpu.VMEM((D, BJ, WI), jnp.float32),
            pltpu.VMEM((D, BJ, WI), jnp.float32),
            pltpu.VMEM((2 * D, L), jnp.float32),
            pltpu.SemaphoreType.DMA,
            pltpu.SemaphoreType.DMA,
            pltpu.SemaphoreType.DMA,
            pltpu.SemaphoreType.DMA,
        ],
    )(xt, tbl_splat)
    return y.transpose(2, 1, 0)

# --- scband reference (transcript-rebuilt; emitter-appended) ---
"""Pipeline reference for scband-model-50027779064180 (READ-ONLY COPY).

The authoritative reference and input builder live on the scoring server;
editing this copy changes nothing except your own understanding.
"""

import jax, jax.numpy as jnp
import numpy as np

WORDS_NUM = 2
WORDS_DIM = 5

def setup_inputs(seed: int = 0) -> dict:
    key = jax.random.key(seed)
    k1, k2 = jax.random.split(key)
    x = jax.random.randint(k1, (16384, 200), 0, WORDS_NUM, dtype=jnp.int64 if jax.config.jax_enable_x64 else jnp.int32)
    # nn.Embedding weight init: N(0, 1)
    table = jax.random.normal(k2, (WORDS_NUM, WORDS_DIM), dtype=jnp.float32)
    return {"x": x, "table": table}

def reference(x, table):
    # embedding lookup: gather rows of table by x
    word_input = jnp.take(table, x, axis=0)
    return word_input

if __name__ == "__main__":
    import jax
    _d = setup_inputs()
    print(jax.jit(kernel)(*tuple(_d.values())))

</pallas_src>

<mosaic_0001>
#map = affine_map<(d0, d1) -> (0, 0)>
#map1 = affine_map<(d0, d1) -> (0, 0, 0)>
module attributes {stable_mosaic.version = 14 : i64} {
  func.func @_sc_lookup(%arg0: i32, %arg1: i32, %arg2: memref<200x16384xi32, #tpu.memory_space<hbm>>, %arg3: memref<10x16xf32, #tpu.memory_space<hbm>>, %arg4: memref<5x200x16384xf32, #tpu.memory_space<hbm>>, %arg5: memref<8x512xi32, #tpu.memory_space<vmem>>, %arg6: memref<8x512xi32, #tpu.memory_space<vmem>>, %arg7: memref<5x8x512xf32, #tpu.memory_space<vmem>>, %arg8: memref<5x8x512xf32, #tpu.memory_space<vmem>>, %arg9: memref<10x16xf32, #tpu.memory_space<vmem>>, %arg10: memref<!tpu.dma_semaphore, #tpu.memory_space<semaphore_mem>>, %arg11: memref<!tpu.dma_semaphore, #tpu.memory_space<semaphore_mem>>, %arg12: memref<!tpu.dma_semaphore, #tpu.memory_space<semaphore_mem>>, %arg13: memref<!tpu.dma_semaphore, #tpu.memory_space<semaphore_mem>>) attributes {dimension_semantics = [#tpu.dimension_semantics<core_parallel>, #tpu.dimension_semantics<subcore_parallel>], iteration_bounds = array<i64: 2, 16>, scalar_prefetch = 0 : i64, scratch_operands = 9 : i64, tpu.core_type = #tpu.core_type<sc_vector_subcore>, window_params = [{transform_indices = #map}, {transform_indices = #map}, {transform_indices = #map1}]} {
    %mul3A = arith.constant 2 : i32
    %mul3A_0 = arith.muli %arg1, %mul3A : i32
    %add3A = arith.addi %mul3A_0, %arg0 : i32
    %mul3A_1 = arith.constant 512 : i32
    %mul3A_2 = arith.muli %add3A, %mul3A_1 : i32
    "tpu.region"() ({
      %run_scoped3A = tpu.sem_alloc : memref<!tpu.dma_semaphore, #tpu.memory_space<semaphore_mem>>
      tpu.enqueue_dma source(%arg3 : memref<10x16xf32, #tpu.memory_space<hbm>>) target(%arg9 : memref<10x16xf32, #tpu.memory_space<vmem>>) target_semaphore(%run_scoped3A : memref<!tpu.dma_semaphore, #tpu.memory_space<semaphore_mem>>)
      tpu.wait_dma2 semaphore(%run_scoped3A : memref<!tpu.dma_semaphore, #tpu.memory_space<semaphore_mem>>) src(%arg3 : memref<10x16xf32, #tpu.memory_space<hbm>>) dst(%arg9 : memref<10x16xf32, #tpu.memory_space<vmem>>)
      tpu.yield
    }) : () -> ()
    %get3A = arith.constant 0 : i32
    %get3A_3 = arith.index_cast %get3A : i32 to index
    %get3A_4 = arith.constant 0 : index
    %get3A_5 = tpu.vector_load %arg9[%get3A_3, %get3A_4] {strides = array<i32>} : memref<10x16xf32, #tpu.memory_space<vmem>>, vector<16xf32>,
    %get3A_6 = arith.constant 1 : i32
    %get3A_7 = arith.index_cast %get3A_6 : i32 to index
    %get3A_8 = arith.constant 0 : index
    %get3A_9 = tpu.vector_load %arg9[%get3A_7, %get3A_8] {strides = array<i32>} : memref<10x16xf32, #tpu.memory_space<vmem>>, vector<16xf32>,
    %get3A_10 = arith.constant 2 : i32
    %get3A_11 = arith.index_cast %get3A_10 : i32 to index
    %get3A_12 = arith.constant 0 : index
    %get3A_13 = tpu.vector_load %arg9[%get3A_11, %get3A_12] {strides = array<i32>} : memref<10x16xf32, #tpu.memory_space<vmem>>, vector<16xf32>,
    %get3A_14 = arith.constant 3 : i32
    %get3A_15 = arith.index_cast %get3A_14 : i32 to index
    %get3A_16 = arith.constant 0 : index
    %get3A_17 = tpu.vector_load %arg9[%get3A_15, %get3A_16] {strides = array<i32>} : memref<10x16xf32, #tpu.memory_space<vmem>>, vector<16xf32>,
    %get3A_18 = arith.constant 4 : i32
    %get3A_19 = arith.index_cast %get3A_18 : i32 to index
    %get3A_20 = arith.constant 0 : index
    %get3A_21 = tpu.vector_load %arg9[%get3A_19, %get3A_20] {strides = array<i32>} : memref<10x16xf32, #tpu.memory_space<vmem>>, vector<16xf32>,
    %get3A_22 = arith.constant 5 : i32
    %get3A_23 = arith.index_cast %get3A_22 : i32 to index
    %get3A_24 = arith.constant 0 : index
    %get3A_25 = tpu.vector_load %arg9[%get3A_23, %get3A_24] {strides = array<i32>} : memref<10x16xf32, #tpu.memory_space<vmem>>, vector<16xf32>,
    %get3A_26 = arith.constant 6 : i32
    %get3A_27 = arith.index_cast %get3A_26 : i32 to index
    %get3A_28 = arith.constant 0 : index
    %get3A_29 = tpu.vector_load %arg9[%get3A_27, %get3A_28] {strides = array<i32>} : memref<10x16xf32, #tpu.memory_space<vmem>>, vector<16xf32>,
    %get3A_30 = arith.constant 7 : i32
    %get3A_31 = arith.index_cast %get3A_30 : i32 to index
    %get3A_32 = arith.constant 0 : index
    %get3A_33 = tpu.vector_load %arg9[%get3A_31, %get3A_32] {strides = array<i32>} : memref<10x16xf32, #tpu.memory_space<vmem>>, vector<16xf32>,
    %get3A_34 = arith.constant 8 : i32
    %get3A_35 = arith.index_cast %get3A_34 : i32 to index
    %get3A_36 = arith.constant 0 : index
    %get3A_37 = tpu.vector_load %arg9[%get3A_35, %get3A_36] {strides = array<i32>} : memref<10x16xf32, #tpu.memory_space<vmem>>, vector<16xf32>,
    %get3A_38 = arith.constant 9 : i32
    %get3A_39 = arith.index_cast %get3A_38 : i32 to index
    %get3A_40 = arith.constant 0 : index
    %get3A_41 = tpu.vector_load %arg9[%get3A_39, %get3A_40] {strides = array<i32>} : memref<10x16xf32, #tpu.memory_space<vmem>>, vector<16xf32>,
    %dma_start3A = arith.constant 0 : i32
    %dma_start3A_42 = tpu.memref_slice %arg2[%dma_start3A, %mul3A_2] : memref<200x16384xi32, #tpu.memory_space<hbm>> -> memref<8x512xi32, #tpu.memory_space<hbm>>
    %dma_start3A_43 = arith.constant 0 : i32
    %dma_start3A_44 = tpu.memref_slice %arg2[%dma_start3A_43, %mul3A_2] : memref<200x16384xi32, #tpu.memory_space<hbm>> -> memref<8x512xi32, #tpu.memory_space<hbm>>
    tpu.enqueue_dma source(%dma_start3A_44 : memref<8x512xi32, #tpu.memory_space<hbm>>) target(%arg5 : memref<8x512xi32, #tpu.memory_space<vmem>>) target_semaphore(%arg10 : memref<!tpu.dma_semaphore, #tpu.memory_space<semaphore_mem>>)
    %dma_start3A_45 = arith.constant 8 : i32
    %dma_start3A_46 = tpu.memref_slice %arg2[%dma_start3A_45, %mul3A_2] : memref<200x16384xi32, #tpu.memory_space<hbm>> -> memref<8x512xi32, #tpu.memory_space<hbm>>
    %dma_start3A_47 = arith.constant 8 : i32
    %dma_start3A_48 = tpu.memref_slice %arg2[%dma_start3A_47, %mul3A_2] : memref<200x16384xi32, #tpu.memory_space<hbm>> -> memref<8x512xi32, #tpu.memory_space<hbm>>
    tpu.enqueue_dma source(%dma_start3A_48 : memref<8x512xi32, #tpu.memory_space<hbm>>) target(%arg6 : memref<8x512xi32, #tpu.memory_space<vmem>>) target_semaphore(%arg11 : memref<!tpu.dma_semaphore, #tpu.memory_space<semaphore_mem>>)
    %scan3A = arith.constant 0 : i32
    %scan3A_49 = arith.constant 0 : i32
    %scan3A_50 = arith.constant 12 : i32
    %scan3A_51 = arith.addi %scan3A_49, %scan3A_50 : i32
    %scan3A_52 = arith.constant 1 : i32
    scf.for %scan3A_83 = %scan3A_49 to %scan3A_51 step %scan3A_52  : i32 {
      %mul3A_84 = arith.constant 2 : i32
      %mul3A_85 = arith.muli %mul3A_84, %scan3A_83 : i32
      %add3A_86 = arith.constant 1 : i32
      %add3A_87 = arith.addi %mul3A_85, %add3A_86 : i32
      %mul3A_88 = arith.constant 8 : i32
      %mul3A_89 = arith.muli %mul3A_85, %mul3A_88 : i32
      %dma_wait3A_90 = tpu.memref_slice %arg2[%mul3A_89, %mul3A_2] : memref<200x16384xi32, #tpu.memory_space<hbm>> -> memref<8x512xi32, #tpu.memory_space<hbm>>
      %dma_wait3A_91 = tpu.memref_slice %arg2[%mul3A_89, %mul3A_2] : memref<200x16384xi32, #tpu.memory_space<hbm>> -> memref<8x512xi32, #tpu.memory_space<hbm>>
      tpu.wait_dma2 semaphore(%arg10 : memref<!tpu.dma_semaphore, #tpu.memory_space<semaphore_mem>>) src(%dma_wait3A_91 : memref<8x512xi32, #tpu.memory_space<hbm>>) dst(%arg5 : memref<8x512xi32, #tpu.memory_space<vmem>>)
      %gt3A = arith.constant 0 : i32
      %gt3A_92 = arith.cmpi sgt, %scan3A_83, %gt3A : i32
      %convert_element_type3A = arith.extui %gt3A_92 : i1 to i32
      %cond3A = arith.constant 0 : i32
      %cond3A_93 = arith.cmpi ne, %convert_element_type3A, %cond3A : i32
      scf.if %cond3A_93 {
        %sub3A = arith.constant 2 : i32
        %sub3A_131 = arith.subi %mul3A_85, %sub3A : i32
        %mul3A_132 = arith.constant 8 : i32
        %mul3A_133 = arith.muli %sub3A_131, %mul3A_132 : i32
        %dma_wait3A_134 = arith.constant 0 : i32
        %dma_wait3A_135 = tpu.memref_slice %arg4[%dma_wait3A_134, %mul3A_133, %mul3A_2] : memref<5x200x16384xf32, #tpu.memory_space<hbm>> -> memref<5x8x512xf32, #tpu.memory_space<hbm>>
        %dma_wait3A_136 = arith.constant 0 : i32
        %dma_wait3A_137 = tpu.memref_slice %arg4[%dma_wait3A_136, %mul3A_133, %mul3A_2] : memref<5x200x16384xf32, #tpu.memory_space<hbm>> -> memref<5x8x512xf32, #tpu.memory_space<hbm>>
        tpu.wait_dma2 semaphore(%arg12 : memref<!tpu.dma_semaphore, #tpu.memory_space<semaphore_mem>>) src(%arg7 : memref<5x8x512xf32, #tpu.memory_space<vmem>>) dst(%dma_wait3A_137 : memref<5x8x512xf32, #tpu.memory_space<hbm>>)
      } else {
      }
      %parallel_loop3A_94 = arith.constant 0 : i32
      %parallel_loop3A_95 = arith.constant 256 : i32
      %parallel_loop3A_96 = arith.constant 1 : i32
      scf.for %parallel_loop3A_131 = %parallel_loop3A_94 to %parallel_loop3A_95 step %parallel_loop3A_96  : i32 {
        %parallel_loop3A_132 = arith.constant 5 : i32
        %parallel_loop3A_133 = arith.shrsi %parallel_loop3A_131, %parallel_loop3A_132 : i32
        %parallel_loop3A_134 = arith.constant 31 : i32
        %parallel_loop3A_135 = arith.andi %parallel_loop3A_131, %parallel_loop3A_134 : i32
        %parallel_loop3A_136 = arith.constant 16 : i32
        %parallel_loop3A_137 = arith.muli %parallel_loop3A_135, %parallel_loop3A_136 : i32
        %parallel_loop3A_138 = arith.index_cast %parallel_loop3A_133 : i32 to index
        %parallel_loop3A_139 = arith.index_cast %parallel_loop3A_137 : i32 to index
        %parallel_loop3A_140 = tpu.vector_load %arg5[%parallel_loop3A_138, %parallel_loop3A_139] {strides = array<i32>} : memref<8x512xi32, #tpu.memory_space<vmem>>, vector<16xi32>,
        %parallel_loop3A_141 = arith.constant 0 : i32
        %parallel_loop3A_142 = vector.broadcast %parallel_loop3A_141 : i32 to vector<16xi32>
        %parallel_loop3A_143 = arith.cmpi eq, %parallel_loop3A_140, %parallel_loop3A_142 : vector<16xi32>
        %parallel_loop3A_144 = arith.select %parallel_loop3A_143, %get3A_5, %get3A_25 : vector<16xi1>, vector<16xf32>
        %parallel_loop3A_145 = arith.constant 0 : i32
        %parallel_loop3A_146 = arith.index_cast %parallel_loop3A_145 : i32 to index
        %parallel_loop3A_147 = arith.index_cast %parallel_loop3A_133 : i32 to index
        %parallel_loop3A_148 = arith.index_cast %parallel_loop3A_137 : i32 to index
        %parallel_loop3A_149 = tpu.vector_load %arg7[%parallel_loop3A_146, %parallel_loop3A_147, %parallel_loop3A_148] {strides = array<i32>} : memref<5x8x512xf32, #tpu.memory_space<vmem>>, vector<16xf32>,
        tpu.vector_store %arg7[%parallel_loop3A_146, %parallel_loop3A_147, %parallel_loop3A_148], %parallel_loop3A_144 {strides = array<i32>} : memref<5x8x512xf32, #tpu.memory_space<vmem>>, vector<16xf32>,
        %parallel_loop3A_150 = arith.select %parallel_loop3A_143, %get3A_9, %get3A_29 : vector<16xi1>, vector<16xf32>
        %parallel_loop3A_151 = arith.constant 1 : i32
        %parallel_loop3A_152 = arith.index_cast %parallel_loop3A_151 : i32 to index
        %parallel_loop3A_153 = arith.index_cast %parallel_loop3A_133 : i32 to index
        %parallel_loop3A_154 = arith.index_cast %parallel_loop3A_137 : i32 to index
        %parallel_loop3A_155 = tpu.vector_load %arg7[%parallel_loop3A_152, %parallel_loop3A_153, %parallel_loop3A_154] {strides = array<i32>} : memref<5x8x512xf32, #tpu.memory_space<vmem>>, vector<16xf32>,
        tpu.vector_store %arg7[%parallel_loop3A_152, %parallel_loop3A_153, %parallel_loop3A_154], %parallel_loop3A_150 {strides = array<i32>} : memref<5x8x512xf32, #tpu.memory_space<vmem>>, vector<16xf32>,
        %parallel_loop3A_156 = arith.select %parallel_loop3A_143, %get3A_13, %get3A_33 : vector<16xi1>, vector<16xf32>
        %parallel_loop3A_157 = arith.constant 2 : i32
        %parallel_loop3A_158 = arith.index_cast %parallel_loop3A_157 : i32 to index
        %parallel_loop3A_159 = arith.index_cast %parallel_loop3A_133 : i32 to index
        %parallel_loop3A_160 = arith.index_cast %parallel_loop3A_137 : i32 to index
        %parallel_loop3A_161 = tpu.vector_load %arg7[%parallel_loop3A_158, %parallel_loop3A_159, %parallel_loop3A_160] {strides = array<i32>} : memref<5x8x512xf32, #tpu.memory_space<vmem>>, vector<16xf32>,
        tpu.vector_store %arg7[%parallel_loop3A_158, %parallel_loop3A_159, %parallel_loop3A_160], %parallel_loop3A_156 {strides = array<i32>} : memref<5x8x512xf32, #tpu.memory_space<vmem>>, vector<16xf32>,
        %parallel_loop3A_162 = arith.select %parallel_loop3A_143, %get3A_17, %get3A_37 : vector<16xi1>, vector<16xf32>
        %parallel_loop3A_163 = arith.constant 3 : i32
        %parallel_loop3A_164 = arith.index_cast %parallel_loop3A_163 : i32 to index
        %parallel_loop3A_165 = arith.index_cast %parallel_loop3A_133 : i32 to index
        %parallel_loop3A_166 = arith.index_cast %parallel_loop3A_137 : i32 to index
        %parallel_loop3A_167 = tpu.vector_load %arg7[%parallel_loop3A_164, %parallel_loop3A_165, %parallel_loop3A_166] {strides = array<i32>} : memref<5x8x512xf32, #tpu.memory_space<vmem>>, vector<16xf32>,
        tpu.vector_store %arg7[%parallel_loop3A_164, %parallel_loop3A_165, %parallel_loop3A_166], %parallel_loop3A_162 {strides = array<i32>} : memref<5x8x512xf32, #tpu.memory_space<vmem>>, vector<16xf32>,
        %parallel_loop3A_168 = arith.select %parallel_loop3A_143, %get3A_21, %get3A_41 : vector<16xi1>, vector<16xf32>
        %parallel_loop3A_169 = arith.constant 4 : i32
        %parallel_loop3A_170 = arith.index_cast %parallel_loop3A_169 : i32 to index
        %parallel_loop3A_171 = arith.index_cast %parallel_loop3A_133 : i32 to index
        %parallel_loop3A_172 = arith.index_cast %parallel_loop3A_137 : i32 to index
        %parallel_loop3A_173 = tpu.vector_load %arg7[%parallel_loop3A_170, %parallel_loop3A_171, %parallel_loop3A_172] {strides = array<i32>} : memref<5x8x512xf32, #tpu.memory_space<vmem>>, vector<16xf32>,
        tpu.vector_store %arg7[%parallel_loop3A_170, %parallel_loop3A_171, %parallel_loop3A_172], %parallel_loop3A_168 {strides = array<i32>} : memref<5x8x512xf32, #tpu.memory_space<vmem>>, vector<16xf32>,
      } {sc.loop_unroll_factor = 4 : i64, sc.parallel_access}
      %mul3A_97 = arith.constant 8 : i32
      %mul3A_98 = arith.muli %mul3A_85, %mul3A_97 : i32
      %dma_start3A_99 = arith.constant 0 : i32
      %dma_start3A_100 = tpu.memref_slice %arg4[%dma_start3A_99, %mul3A_98, %mul3A_2] : memref<5x200x16384xf32, #tpu.memory_space<hbm>> -> memref<5x8x512xf32, #tpu.memory_space<hbm>>
      %dma_start3A_101 = arith.constant 0 : i32
      %dma_start3A_102 = tpu.memref_slice %arg4[%dma_start3A_101, %mul3A_98, %mul3A_2] : memref<5x200x16384xf32, #tpu.memory_space<hbm>> -> memref<5x8x512xf32, #tpu.memory_space<hbm>>
      tpu.enqueue_dma source(%arg7 : memref<5x8x512xf32, #tpu.memory_space<vmem>>) target(%dma_start3A_102 : memref<5x8x512xf32, #tpu.memory_space<hbm>>) target_semaphore(%arg12 : memref<!tpu.dma_semaphore, #tpu.memory_space<semaphore_mem>>)
      %add3A_103 = arith.constant 2 : i32
      %add3A_104 = arith.addi %mul3A_85, %add3A_103 : i32
      %mul3A_105 = arith.constant 8 : i32
      %mul3A_106 = arith.muli %add3A_104, %mul3A_105 : i32
      %dma_start3A_107 = tpu.memref_slice %arg2[%mul3A_106, %mul3A_2] : memref<200x16384xi32, #tpu.memory_space<hbm>> -> memref<8x512xi32, #tpu.memory_space<hbm>>
      %dma_start3A_108 = tpu.memref_slice %arg2[%mul3A_106, %mul3A_2] : memref<200x16384xi32, #tpu.memory_space<hbm>> -> memref<8x512xi32, #tpu.memory_space<hbm>>
      tpu.enqueue_dma source(%dma_start3A_108 : memref<8x512xi32, #tpu.memory_space<hbm>>) target(%arg5 : memref<8x512xi32, #tpu.memory_space<vmem>>) target_semaphore(%arg10 : memref<!tpu.dma_semaphore, #tpu.memory_space<semaphore_mem>>)
      %mul3A_109 = arith.constant 8 : i32
      %mul3A_110 = arith.muli %add3A_87, %mul3A_109 : i32
      %dma_wait3A_111 = tpu.memref_slice %arg2[%mul3A_110, %mul3A_2] : memref<200x16384xi32, #tpu.memory_space<hbm>> -> memref<8x512xi32, #tpu.memory_space<hbm>>
      %dma_wait3A_112 = tpu.memref_slice %arg2[%mul3A_110, %mul3A_2] : memref<200x16384xi32, #tpu.memory_space<hbm>> -> memref<8x512xi32, #tpu.memory_space<hbm>>
      tpu.wait_dma2 semaphore(%arg11 : memref<!tpu.dma_semaphore, #tpu.memory_space<semaphore_mem>>) src(%dma_wait3A_112 : memref<8x512xi32, #tpu.memory_space<hbm>>) dst(%arg6 : memref<8x512xi32, #tpu.memory_space<vmem>>)
      %gt3A_113 = arith.constant 0 : i32
      %gt3A_114 = arith.cmpi sgt, %scan3A_83, %gt3A_113 : i32
      %convert_element_type3A_115 = arith.extui %gt3A_114 : i1 to i32
      %cond3A_116 = arith.constant 0 : i32
      %cond3A_117 = arith.cmpi ne, %convert_element_type3A_115, %cond3A_116 : i32
      scf.if %cond3A_117 {
        %sub3A = arith.constant 2 : i32
        %sub3A_131 = arith.subi %add3A_87, %sub3A : i32
        %mul3A_132 = arith.constant 8 : i32
        %mul3A_133 = arith.muli %sub3A_131, %mul3A_132 : i32
        %dma_wait3A_134 = arith.constant 0 : i32
        %dma_wait3A_135 = tpu.memref_slice %arg4[%dma_wait3A_134, %mul3A_133, %mul3A_2] : memref<5x200x16384xf32, #tpu.memory_space<hbm>> -> memref<5x8x512xf32, #tpu.memory_space<hbm>>
        %dma_wait3A_136 = arith.constant 0 : i32
        %dma_wait3A_137 = tpu.memref_slice %arg4[%dma_wait3A_136, %mul3A_133, %mul3A_2] : memref<5x200x16384xf32, #tpu.memory_space<hbm>> -> memref<5x8x512xf32, #tpu.memory_space<hbm>>
        tpu.wait_dma2 semaphore(%arg13 : memref<!tpu.dma_semaphore, #tpu.memory_space<semaphore_mem>>) src(%arg8 : memref<5x8x512xf32, #tpu.memory_space<vmem>>) dst(%dma_wait3A_137 : memref<5x8x512xf32, #tpu.memory_space<hbm>>)
      } else {
      }
      %parallel_loop3A_118 = arith.constant 0 : i32
      %parallel_loop3A_119 = arith.constant 256 : i32
      %parallel_loop3A_120 = arith.constant 1 : i32
      scf.for %parallel_loop3A_131 = %parallel_loop3A_118 to %parallel_loop3A_119 step %parallel_loop3A_120  : i32 {
        %parallel_loop3A_132 = arith.constant 5 : i32
        %parallel_loop3A_133 = arith.shrsi %parallel_loop3A_131, %parallel_loop3A_132 : i32
        %parallel_loop3A_134 = arith.constant 31 : i32
        %parallel_loop3A_135 = arith.andi %parallel_loop3A_131, %parallel_loop3A_134 : i32
        %parallel_loop3A_136 = arith.constant 16 : i32
        %parallel_loop3A_137 = arith.muli %parallel_loop3A_135, %parallel_loop3A_136 : i32
        %parallel_loop3A_138 = arith.index_cast %parallel_loop3A_133 : i32 to index
        %parallel_loop3A_139 = arith.index_cast %parallel_loop3A_137 : i32 to index
        %parallel_loop3A_140 = tpu.vector_load %arg6[%parallel_loop3A_138, %parallel_loop3A_139] {strides = array<i32>} : memref<8x512xi32, #tpu.memory_space<vmem>>, vector<16xi32>,
        %parallel_loop3A_141 = arith.constant 0 : i32
        %parallel_loop3A_142 = vector.broadcast %parallel_loop3A_141 : i32 to vector<16xi32>
        %parallel_loop3A_143 = arith.cmpi eq, %parallel_loop3A_140, %parallel_loop3A_142 : vector<16xi32>
        %parallel_loop3A_144 = arith.select %parallel_loop3A_143, %get3A_5, %get3A_25 : vector<16xi1>, vector<16xf32>
        %parallel_loop3A_145 = arith.constant 0 : i32
        %parallel_loop3A_146 = arith.index_cast %parallel_loop3A_145 : i32 to index
        %parallel_loop3A_147 = arith.index_cast %parallel_loop3A_133 : i32 to index
        %parallel_loop3A_148 = arith.index_cast %parallel_loop3A_137 : i32 to index
        %parallel_loop3A_149 = tpu.vector_load %arg8[%parallel_loop3A_146, %parallel_loop3A_147, %parallel_loop3A_148] {strides = array<i32>} : memref<5x8x512xf32, #tpu.memory_space<vmem>>, vector<16xf32>,
        tpu.vector_store %arg8[%parallel_loop3A_146, %parallel_loop3A_147, %parallel_loop3A_148], %parallel_loop3A_144 {strides = array<i32>} : memref<5x8x512xf32, #tpu.memory_space<vmem>>, vector<16xf32>,
        %parallel_loop3A_150 = arith.select %parallel_loop3A_143, %get3A_9, %get3A_29 : vector<16xi1>, vector<16xf32>
        %parallel_loop3A_151 = arith.constant 1 : i32
        %parallel_loop3A_152 = arith.index_cast %parallel_loop3A_151 : i32 to index
        %parallel_loop3A_153 = arith.index_cast %parallel_loop3A_133 : i32 to index
        %parallel_loop3A_154 = arith.index_cast %parallel_loop3A_137 : i32 to index
        %parallel_loop3A_155 = tpu.vector_load %arg8[%parallel_loop3A_152, %parallel_loop3A_153, %parallel_loop3A_154] {strides = array<i32>} : memref<5x8x512xf32, #tpu.memory_space<vmem>>, vector<16xf32>,
        tpu.vector_store %arg8[%parallel_loop3A_152, %parallel_loop3A_153, %parallel_loop3A_154], %parallel_loop3A_150 {strides = array<i32>} : memref<5x8x512xf32, #tpu.memory_space<vmem>>, vector<16xf32>,
        %parallel_loop3A_156 = arith.select %parallel_loop3A_143, %get3A_13, %get3A_33 : vector<16xi1>, vector<16xf32>
        %parallel_loop3A_157 = arith.constant 2 : i32
        %parallel_loop3A_158 = arith.index_cast %parallel_loop3A_157 : i32 to index
        %parallel_loop3A_159 = arith.index_cast %parallel_loop3A_133 : i32 to index
        %parallel_loop3A_160 = arith.index_cast %parallel_loop3A_137 : i32 to index
        %parallel_loop3A_161 = tpu.vector_load %arg8[%parallel_loop3A_158, %parallel_loop3A_159, %parallel_loop3A_160] {strides = array<i32>} : memref<5x8x512xf32, #tpu.memory_space<vmem>>, vector<16xf32>,
        tpu.vector_store %arg8[%parallel_loop3A_158, %parallel_loop3A_159, %parallel_loop3A_160], %parallel_loop3A_156 {strides = array<i32>} : memref<5x8x512xf32, #tpu.memory_space<vmem>>, vector<16xf32>,
        %parallel_loop3A_162 = arith.select %parallel_loop3A_143, %get3A_17, %get3A_37 : vector<16xi1>, vector<16xf32>
        %parallel_loop3A_163 = arith.constant 3 : i32
        %parallel_loop3A_164 = arith.index_cast %parallel_loop3A_163 : i32 to index
        %parallel_loop3A_165 = arith.index_cast %parallel_loop3A_133 : i32 to index
        %parallel_loop3A_166 = arith.index_cast %parallel_loop3A_137 : i32 to index
        %parallel_loop3A_167 = tpu.vector_load %arg8[%parallel_loop3A_164, %parallel_loop3A_165, %parallel_loop3A_166] {strides = array<i32>} : memref<5x8x512xf32, #tpu.memory_space<vmem>>, vector<16xf32>,
        tpu.vector_store %arg8[%parallel_loop3A_164, %parallel_loop3A_165, %parallel_loop3A_166], %parallel_loop3A_162 {strides = array<i32>} : memref<5x8x512xf32, #tpu.memory_space<vmem>>, vector<16xf32>,
        %parallel_loop3A_168 = arith.select %parallel_loop3A_143, %get3A_21, %get3A_41 : vector<16xi1>, vector<16xf32>
        %parallel_loop3A_169 = arith.constant 4 : i32
        %parallel_loop3A_170 = arith.index_cast %parallel_loop3A_169 : i32 to index
        %parallel_loop3A_171 = arith.index_cast %parallel_loop3A_133 : i32 to index
        %parallel_loop3A_172 = arith.index_cast %parallel_loop3A_137 : i32 to index
        %parallel_loop3A_173 = tpu.vector_load %arg8[%parallel_loop3A_170, %parallel_loop3A_171, %parallel_loop3A_172] {strides = array<i32>} : memref<5x8x512xf32, #tpu.memory_space<vmem>>, vector<16xf32>,
        tpu.vector_store %arg8[%parallel_loop3A_170, %parallel_loop3A_171, %parallel_loop3A_172], %parallel_loop3A_168 {strides = array<i32>} : memref<5x8x512xf32, #tpu.memory_space<vmem>>, vector<16xf32>,
      } {sc.loop_unroll_factor = 4 : i64, sc.parallel_access}
      %mul3A_121 = arith.constant 8 : i32
      %mul3A_122 = arith.muli %add3A_87, %mul3A_121 : i32
      %dma_start3A_123 = arith.constant 0 : i32
      %dma_start3A_124 = tpu.memref_slice %arg4[%dma_start3A_123, %mul3A_122, %mul3A_2] : memref<5x200x16384xf32, #tpu.memory_space<hbm>> -> memref<5x8x512xf32, #tpu.memory_space<hbm>>
      %dma_start3A_125 = arith.constant 0 : i32
      %dma_start3A_126 = tpu.memref_slice %arg4[%dma_start3A_125, %mul3A_122, %mul3A_2] : memref<5x200x16384xf32, #tpu.memory_space<hbm>> -> memref<5x8x512xf32, #tpu.memory_space<hbm>>
      tpu.enqueue_dma source(%arg8 : memref<5x8x512xf32, #tpu.memory_space<vmem>>) target(%dma_start3A_126 : memref<5x8x512xf32, #tpu.memory_space<hbm>>) target_semaphore(%arg13 : memref<!tpu.dma_semaphore, #tpu.memory_space<semaphore_mem>>)
      %lt3A = arith.constant 11 : i32
      %lt3A_127 = arith.cmpi slt, %scan3A_83, %lt3A : i32
      %convert_element_type3A_128 = arith.extui %lt3A_127 : i1 to i32
      %cond3A_129 = arith.constant 0 : i32
      %cond3A_130 = arith.cmpi ne, %convert_element_type3A_128, %cond3A_129 : i32
      scf.if %cond3A_130 {
        %add3A_131 = arith.constant 2 : i32
        %add3A_132 = arith.addi %add3A_87, %add3A_131 : i32
        %mul3A_133 = arith.constant 8 : i32
        %mul3A_134 = arith.muli %add3A_132, %mul3A_133 : i32
        %dma_start3A_135 = tpu.memref_slice %arg2[%mul3A_134, %mul3A_2] : memref<200x16384xi32, #tpu.memory_space<hbm>> -> memref<8x512xi32, #tpu.memory_space<hbm>>
        %dma_start3A_136 = tpu.memref_slice %arg2[%mul3A_134, %mul3A_2] : memref<200x16384xi32, #tpu.memory_space<hbm>> -> memref<8x512xi32, #tpu.memory_space<hbm>>
        tpu.enqueue_dma source(%dma_start3A_136 : memref<8x512xi32, #tpu.memory_space<hbm>>) target(%arg6 : memref<8x512xi32, #tpu.memory_space<vmem>>) target_semaphore(%arg11 : memref<!tpu.dma_semaphore, #tpu.memory_space<semaphore_mem>>)
      } else {
      }
    }
    %scan3A_53 = arith.constant 12 : i32
    %dma_wait3A = arith.constant 192 : i32
    %dma_wait3A_54 = tpu.memref_slice %arg2[%dma_wait3A, %mul3A_2] : memref<200x16384xi32, #tpu.memory_space<hbm>> -> memref<8x512xi32, #tpu.memory_space<hbm>>
    %dma_wait3A_55 = arith.constant 192 : i32
    %dma_wait3A_56 = tpu.memref_slice %arg2[%dma_wait3A_55, %mul3A_2] : memref<200x16384xi32, #tpu.memory_space<hbm>> -> memref<8x512xi32, #tpu.memory_space<hbm>>
    tpu.wait_dma2 semaphore(%arg10 : memref<!tpu.dma_semaphore, #tpu.memory_space<semaphore_mem>>) src(%dma_wait3A_56 : memref<8x512xi32, #tpu.memory_space<hbm>>) dst(%arg5 : memref<8x512xi32, #tpu.memory_space<vmem>>)
    %dma_wait3A_57 = arith.constant 0 : i32
    %dma_wait3A_58 = arith.constant 176 : i32
    %dma_wait3A_59 = tpu.memref_slice %arg4[%dma_wait3A_57, %dma_wait3A_58, %mul3A_2] : memref<5x200x16384xf32, #tpu.memory_space<hbm>> -> memref<5x8x512xf32, #tpu.memory_space<hbm>>
    %dma_wait3A_60 = arith.constant 0 : i32
    %dma_wait3A_61 = arith.constant 176 : i32
    %dma_wait3A_62 = tpu.memref_slice %arg4[%dma_wait3A_60, %dma_wait3A_61, %mul3A_2] : memref<5x200x16384xf32, #tpu.memory_space<hbm>> -> memref<5x8x512xf32, #tpu.memory_space<hbm>>
    tpu.wait_dma2 semaphore(%arg12 : memref<!tpu.dma_semaphore, #tpu.memory_space<semaphore_mem>>) src(%arg7 : memref<5x8x512xf32, #tpu.memory_space<vmem>>) dst(%dma_wait3A_62 : memref<5x8x512xf32, #tpu.memory_space<hbm>>)
    %parallel_loop3A = arith.constant 0 : i32
    %parallel_loop3A_63 = arith.constant 256 : i32
    %parallel_loop3A_64 = arith.constant 1 : i32
    scf.for %parallel_loop3A_83 = %parallel_loop3A to %parallel_loop3A_63 step %parallel_loop3A_64  : i32 {
      %parallel_loop3A_84 = arith.constant 5 : i32
      %parallel_loop3A_85 = arith.shrsi %parallel_loop3A_83, %parallel_loop3A_84 : i32
      %parallel_loop3A_86 = arith.constant 31 : i32
      %parallel_loop3A_87 = arith.andi %parallel_loop3A_83, %parallel_loop3A_86 : i32
      %parallel_loop3A_88 = arith.constant 16 : i32
      %parallel_loop3A_89 = arith.muli %parallel_loop3A_87, %parallel_loop3A_88 : i32
      %parallel_loop3A_90 = arith.index_cast %parallel_loop3A_85 : i32 to index
      %parallel_loop3A_91 = arith.index_cast %parallel_loop3A_89 : i32 to index
      %parallel_loop3A_92 = tpu.vector_load %arg5[%parallel_loop3A_90, %parallel_loop3A_91] {strides = array<i32>} : memref<8x512xi32, #tpu.memory_space<vmem>>, vector<16xi32>,
      %parallel_loop3A_93 = arith.constant 0 : i32
      %parallel_loop3A_94 = vector.broadcast %parallel_loop3A_93 : i32 to vector<16xi32>
      %parallel_loop3A_95 = arith.cmpi eq, %parallel_loop3A_92, %parallel_loop3A_94 : vector<16xi32>
      %parallel_loop3A_96 = arith.select %parallel_loop3A_95, %get3A_5, %get3A_25 : vector<16xi1>, vector<16xf32>
      %parallel_loop3A_97 = arith.constant 0 : i32
      %parallel_loop3A_98 = arith.index_cast %parallel_loop3A_97 : i32 to index
      %parallel_loop3A_99 = arith.index_cast %parallel_loop3A_85 : i32 to index
      %parallel_loop3A_100 = arith.index_cast %parallel_loop3A_89 : i32 to index
      %parallel_loop3A_101 = tpu.vector_load %arg7[%parallel_loop3A_98, %parallel_loop3A_99, %parallel_loop3A_100] {strides = array<i32>} : memref<5x8x512xf32, #tpu.memory_space<vmem>>, vector<16xf32>,
      tpu.vector_store %arg7[%parallel_loop3A_98, %parallel_loop3A_99, %parallel_loop3A_100], %parallel_loop3A_96 {strides = array<i32>} : memref<5x8x512xf32, #tpu.memory_space<vmem>>, vector<16xf32>,
      %parallel_loop3A_102 = arith.select %parallel_loop3A_95, %get3A_9, %get3A_29 : vector<16xi1>, vector<16xf32>
      %parallel_loop3A_103 = arith.constant 1 : i32
      %parallel_loop3A_104 = arith.index_cast %parallel_loop3A_103 : i32 to index
      %parallel_loop3A_105 = arith.index_cast %parallel_loop3A_85 : i32 to index
      %parallel_loop3A_106 = arith.index_cast %parallel_loop3A_89 : i32 to index
      %parallel_loop3A_107 = tpu.vector_load %arg7[%parallel_loop3A_104, %parallel_loop3A_105, %parallel_loop3A_106] {strides = array<i32>} : memref<5x8x512xf32, #tpu.memory_space<vmem>>, vector<16xf32>,
      tpu.vector_store %arg7[%parallel_loop3A_104, %parallel_loop3A_105, %parallel_loop3A_106], %parallel_loop3A_102 {strides = array<i32>} : memref<5x8x512xf32, #tpu.memory_space<vmem>>, vector<16xf32>,
      %parallel_loop3A_108 = arith.select %parallel_loop3A_95, %get3A_13, %get3A_33 : vector<16xi1>, vector<16xf32>
      %parallel_loop3A_109 = arith.constant 2 : i32
      %parallel_loop3A_110 = arith.index_cast %parallel_loop3A_109 : i32 to index
      %parallel_loop3A_111 = arith.index_cast %parallel_loop3A_85 : i32 to index
      %parallel_loop3A_112 = arith.index_cast %parallel_loop3A_89 : i32 to index
      %parallel_loop3A_113 = tpu.vector_load %arg7[%parallel_loop3A_110, %parallel_loop3A_111, %parallel_loop3A_112] {strides = array<i32>} : memref<5x8x512xf32, #tpu.memory_space<vmem>>, vector<16xf32>,
      tpu.vector_store %arg7[%parallel_loop3A_110, %parallel_loop3A_111, %parallel_loop3A_112], %parallel_loop3A_108 {strides = array<i32>} : memref<5x8x512xf32, #tpu.memory_space<vmem>>, vector<16xf32>,
      %parallel_loop3A_114 = arith.select %parallel_loop3A_95, %get3A_17, %get3A_37 : vector<16xi1>, vector<16xf32>
      %parallel_loop3A_115 = arith.constant 3 : i32
      %parallel_loop3A_116 = arith.index_cast %parallel_loop3A_115 : i32 to index
      %parallel_loop3A_117 = arith.index_cast %parallel_loop3A_85 : i32 to index
      %parallel_loop3A_118 = arith.index_cast %parallel_loop3A_89 : i32 to index
      %parallel_loop3A_119 = tpu.vector_load %arg7[%parallel_loop3A_116, %parallel_loop3A_117, %parallel_loop3A_118] {strides = array<i32>} : memref<5x8x512xf32, #tpu.memory_space<vmem>>, vector<16xf32>,
      tpu.vector_store %arg7[%parallel_loop3A_116, %parallel_loop3A_117, %parallel_loop3A_118], %parallel_loop3A_114 {strides = array<i32>} : memref<5x8x512xf32, #tpu.memory_space<vmem>>, vector<16xf32>,
      %parallel_loop3A_120 = arith.select %parallel_loop3A_95, %get3A_21, %get3A_41 : vector<16xi1>, vector<16xf32>
      %parallel_loop3A_121 = arith.constant 4 : i32
      %parallel_loop3A_122 = arith.index_cast %parallel_loop3A_121 : i32 to index
      %parallel_loop3A_123 = arith.index_cast %parallel_loop3A_85 : i32 to index
      %parallel_loop3A_124 = arith.index_cast %parallel_loop3A_89 : i32 to index
      %parallel_loop3A_125 = tpu.vector_load %arg7[%parallel_loop3A_122, %parallel_loop3A_123, %parallel_loop3A_124] {strides = array<i32>} : memref<5x8x512xf32, #tpu.memory_space<vmem>>, vector<16xf32>,
      tpu.vector_store %arg7[%parallel_loop3A_122, %parallel_loop3A_123, %parallel_loop3A_124], %parallel_loop3A_120 {strides = array<i32>} : memref<5x8x512xf32, #tpu.memory_space<vmem>>, vector<16xf32>,
    } {sc.loop_unroll_factor = 4 : i64, sc.parallel_access}
    %dma_start3A_65 = arith.constant 0 : i32
    %dma_start3A_66 = arith.constant 192 : i32
    %dma_start3A_67 = tpu.memref_slice %arg4[%dma_start3A_65, %dma_start3A_66, %mul3A_2] : memref<5x200x16384xf32, #tpu.memory_space<hbm>> -> memref<5x8x512xf32, #tpu.memory_space<hbm>>
    %dma_start3A_68 = arith.constant 0 : i32
    %dma_start3A_69 = arith.constant 192 : i32
    %dma_start3A_70 = tpu.memref_slice %arg4[%dma_start3A_68, %dma_start3A_69, %mul3A_2] : memref<5x200x16384xf32, #tpu.memory_space<hbm>> -> memref<5x8x512xf32, #tpu.memory_space<hbm>>
    tpu.enqueue_dma source(%arg7 : memref<5x8x512xf32, #tpu.memory_space<vmem>>) target(%dma_start3A_70 : memref<5x8x512xf32, #tpu.memory_space<hbm>>) target_semaphore(%arg12 : memref<!tpu.dma_semaphore, #tpu.memory_space<semaphore_mem>>)
    %dma_wait3A_71 = arith.constant 0 : i32
    %dma_wait3A_72 = arith.constant 184 : i32
    %dma_wait3A_73 = tpu.memref_slice %arg4[%dma_wait3A_71, %dma_wait3A_72, %mul3A_2] : memref<5x200x16384xf32, #tpu.memory_space<hbm>> -> memref<5x8x512xf32, #tpu.memory_space<hbm>>
    %dma_wait3A_74 = arith.constant 0 : i32
    %dma_wait3A_75 = arith.constant 184 : i32
    %dma_wait3A_76 = tpu.memref_slice %arg4[%dma_wait3A_74, %dma_wait3A_75, %mul3A_2] : memref<5x200x16384xf32, #tpu.memory_space<hbm>> -> memref<5x8x512xf32, #tpu.memory_space<hbm>>
    tpu.wait_dma2 semaphore(%arg13 : memref<!tpu.dma_semaphore, #tpu.memory_space<semaphore_mem>>) src(%arg8 : memref<5x8x512xf32, #tpu.memory_space<vmem>>) dst(%dma_wait3A_76 : memref<5x8x512xf32, #tpu.memory_space<hbm>>)
    %dma_wait3A_77 = arith.constant 0 : i32
    %dma_wait3A_78 = arith.constant 192 : i32
    %dma_wait3A_79 = tpu.memref_slice %arg4[%dma_wait3A_77, %dma_wait3A_78, %mul3A_2] : memref<5x200x16384xf32, #tpu.memory_space<hbm>> -> memref<5x8x512xf32, #tpu.memory_space<hbm>>
    %dma_wait3A_80 = arith.constant 0 : i32
    %dma_wait3A_81 = arith.constant 192 : i32
    %dma_wait3A_82 = tpu.memref_slice %arg4[%dma_wait3A_80, %dma_wait3A_81, %mul3A_2] : memref<5x200x16384xf32, #tpu.memory_space<hbm>> -> memref<5x8x512xf32, #tpu.memory_space<hbm>>
    tpu.wait_dma2 semaphore(%arg12 : memref<!tpu.dma_semaphore, #tpu.memory_space<semaphore_mem>>) src(%arg7 : memref<5x8x512xf32, #tpu.memory_space<vmem>>) dst(%dma_wait3A_82 : memref<5x8x512xf32, #tpu.memory_space<hbm>>)
    return
  }
}

</mosaic_0001>

<sc_bundles>
// kernel: kernel.3.cloned.1.call-start
scs
__scs_entry_jumppad:
0x0: {  	(pc) =	sbr.rel $0x88, $3  }
0x1: {  	(tag) =	ssettag $0x0;
	lr =	simm.s32 $0x1  }
0x2: {  	[smem:$0x3F9F] =	sst lr;
	_ =	strace $0xD0000000  }
0x3: {  	_ = 	snop  }
0x4: {  	_ = 	snop  }
0x5: {  	_ = 	snop  }
0x6: {  	_ = 	snop  }
0x7: {  	_ = 	snop  }
__scs_overlays_trampoline_lowered:
0x8: {  	[smem:$0x3FAE] =	sst s0  }
0x9: {  	[smem:$0x3FAF] =	sst s1  }
0xa: {  	[smem:$0x3FB0] =	sst s2  }
0xb: {  	[smem:$0x3FB1] =	sst s3  }
0xc: {  	[smem:$0x3FB2] =	sst s4  }
0xd: {  	[smem:$0x3FB3] =	sst s5  }
0xe: {  	[smem:$0x3FB4] =	sst s6  }
0xf: {  	[smem:$0x3FB5] =	sst s7  }
0x10: {  	[smem:$0x3FB6] =	sst s8  }
0x11: {  	[smem:$0x3FB7] =	sst s9;
	s0 =	simm.s32 @!p0 $0x0  }
0x12: {  	s1 =	sld [smem:$0x3F9D];
	s0 =	simm.s32 @p0 $0x1  }
0x13: {  	[smem:$0x3FB8] =	sst s0;
	s0 =	simm.s32 @!p1 $0x0  }
0x14: {  	s2 =	sld [smem:$0x3F9C];
	s0 =	simm.s32 @p1 $0x1  }
0x15: {  	[smem:$0x3FB9] =	sst s0;
	s0 =	simm.s32 @!p2 $0x0  }
0x16: {  	s3 =	sld [smem:$0x3FDB];
	s0 =	simm.s32 @p2 $0x1  }
0x17: {  	s4 =	simm.s32 $0x1BF5;
	[smem:$0x3FBB] =	sst s0  }
0x18: {  	s0 =	sld [smem:$0x3F9E];
	_ =	swait.ge [sflag:s4], $0x0  }
0x19: {  	s7 =	sld [smem:$0x3F9F]  }
0x1a: {  	s8 =	sadd.s32 $0xFFFFE003, lr  }
0x1b: {  	s9 =	sadd.s32 $0xFFFFFEF7, lr;
	s5 =	simm.s32 $0xFFFFFFFF;
	p2 =	slt.u32 s8, $0xFFFFF086  }
0x1c: {  	p1 =	slt.u32 s9, $0xF7A;
	s5 =	simm.s32 @!p2 $0x0  }
0x1d: {  	s5 =	simm.s32 @p1 $0x1;
	p0 =	seq.s32 s7, s2  }
0x1e: {  	s7 =	smul.u32 @!p0 $0xF7A, s2;
	p2 =	seq.s32 @!p0 s5, $0x0  }
0x1f: {  	s9 =	smul.u32 $0xF7A, s1;
	s8 =	simm.s32 @!p0 $0x1BF5;
	p2 =	por !p2, p0  }
0x20: {  	[sflag:s8] =	ssyncset.s32 @!p0 $0xFFFFF086;
	s6 =	sadd.s32 @!p0 s3, s7;
	s7 =	simm.s32 @!p0 $0x108  }
0x21: {  	s3 =	sadd.s32 s3, s9;
	s6 =	sadd.s32 @!p0 $0x88, s6;
	s7 =	simm.s32 @p2 $0x1082  }
0x22: {  	[simem:s7], [sflag:s8] =	dma.local @!p0 [hbm:s6], $0xF7A  }
0x23: {  	s9 =	sor.u32 $0xD0000000, s2;
	s6 =	simm.s32 $0x108;
	_ =	swait.ge @!p0 [sflag:s8], $0x0  }
0x24: {  	s3 =	sadd.s32 $0x88, s3;
	s6 =	simm.s32 @!p1 $0x1082;
	[sflag:s4] =	ssyncset.s32 $0xFFFFF086  }
0x25: {  	[simem:s6], [sflag:s4] =	dma.local [hbm:s3], $0xF7A  }
0x26: {  	[smem:$0x3F9F] =	sst s1;
	(tag) =	ssettag s2;
	_ =	strace s9  }
0x27: {  	s1 =	sld [smem:$0x3FAF]  }
0x28: {  	s2 =	sld [smem:$0x3FB0]  }
0x29: {  	s4 =	sld [smem:$0x3FB2]  }
0x2a: {  	p0 =	seq.s32 s5, $0x0;
	s5 =	sld [smem:$0x3FB3]  }
0x2b: {  	s6 =	sld [smem:$0x3FB4]  }
0x2c: {  	s7 =	sld [smem:$0x3FB5]  }
0x2d: {  	s3 =	simm.s32 $0x108;
	s8 =	sld [smem:$0x3FB6]  }
0x2e: {  	s3 =	simm.s32 @!p0 $0x1082;
	s9 =	sld [smem:$0x3FB7]  }
0x2f: {  	lr =	sadd.s32 s0, s3;
	s0 =	sld [smem:$0x3FAE]  }
0x30: {  	s3 =	sld [smem:$0x3FB1]  }
0x31: {  	[smem:$0x3FBA] =	sst s10  }
0x32: {  	s10 =	sld [smem:$0x3FB8];
	_ =	sdelay $0x3  }
0x33: {  	p0 =	seq.s32 s10, $0x1;
	s10 =	sld [smem:$0x3FBA];
	_ =	sdelay $0x3  }
0x34: {  	[smem:$0x3FBA] =	sst s10  }
0x35: {  	s10 =	sld [smem:$0x3FB9];
	_ =	sdelay $0x3  }
0x36: {  	p1 =	seq.s32 s10, $0x1;
	s10 =	sld [smem:$0x3FBA];
	_ =	sdelay $0x3  }
0x37: {  	[smem:$0x3FBA] =	sst s10  }
0x38: {  	s10 =	sld [smem:$0x3FBB]  }
0x39: {  	_ = 	snop;
	(pc) =	sbr.ind lr, $3  }
0x3a: {  	_ = 	snop  }
0x3b: {  	_ = 	snop  }
0x3c: {  	p2 =	seq.s32 s10, $0x1;
	s10 =	sld [smem:$0x3FBA]  }
0x3d: {  	_ =	shalt  }
0x3e: {  	_ =	shalt  }
0x3f: {  	_ =	shalt  }
0x40: {  	_ =	shalt  }
0x41: {  	_ =	shalt  }
0x42: {  	_ =	shalt  }
0x43: {  	_ =	shalt  }
0x44: {  	_ =	shalt  }
0x45: {  	_ =	shalt  }
0x46: {  	_ =	shalt  }
0x47: {  	_ =	shalt  }
0x48: {  	_ =	shalt  }
0x49: {  	_ =	shalt  }
0x4a: {  	_ =	shalt  }
0x4b: {  	_ =	shalt  }
0x4c: {  	_ =	shalt  }
0x4d: {  	_ =	shalt  }
0x4e: {  	_ =	shalt  }
0x4f: {  	_ =	shalt  }
0x50: {  	_ =	shalt  }
0x51: {  	_ =	shalt  }
0x52: {  	_ =	shalt  }
0x53: {  	_ =	shalt  }
0x54: {  	_ =	shalt  }
0x55: {  	_ =	shalt  }
0x56: {  	_ =	shalt  }
0x57: {  	_ =	shalt  }
0x58: {  	_ =	shalt  }
0x59: {  	_ =	shalt  }
0x5a: {  	_ =	shalt  }
0x5b: {  	_ =	shalt  }
0x5c: {  	_ =	shalt  }
0x5d: {  	_ =	shalt  }
0x5e: {  	_ =	shalt  }
0x5f: {  	_ =	shalt  }
0x60: {  	_ =	shalt  }
0x61: {  	_ =	shalt  }
0x62: {  	_ =	shalt  }
0x63: {  	_ =	shalt  }
0x64: {  	_ =	shalt  }
0x65: {  	_ =	shalt  }
0x66: {  	_ =	shalt  }
0x67: {  	_ =	shalt  }
0x68: {  	_ =	shalt  }
0x69: {  	_ =	shalt  }
0x6a: {  	_ =	shalt  }
0x6b: {  	_ =	shalt  }
0x6c: {  	_ =	shalt  }
0x6d: {  	_ =	shalt  }
0x6e: {  	_ =	shalt  }
0x6f: {  	_ =	shalt  }
0x70: {  	_ =	shalt  }
0x71: {  	_ =	shalt  }
0x72: {  	_ =	shalt  }
0x73: {  	_ =	shalt  }
0x74: {  	_ =	shalt  }
0x75: {  	_ =	shalt  }
0x76: {  	_ =	shalt  }
0x77: {  	_ =	shalt  }
0x78: {  	_ =	shalt  }
0x79: {  	_ =	shalt  }
0x7a: {  	_ =	shalt  }
0x7b: {  	_ =	shalt  }
0x7c: {  	_ =	shalt  }
0x7d: {  	_ =	shalt  }
0x7e: {  	_ =	shalt  }
0x7f: {  	_ =	shalt  }
0x80: {  	_ =	shalt  }
0x81: {  	_ =	shalt  }
0x82: {  	_ =	shalt  }
0x83: {  	_ =	shalt  }
0x84: {  	_ =	shalt  }
0x85: {  	_ =	shalt  }
0x86: {  	_ =	shalt  }
0x87: {  	_ =	shalt  }
.Lfunc_end0:
.L_simem_size_0:
called_computation_lowered:
.L_overlay_start_0:
0x88: {  	s2 =	sld [smem:$0x3FD9]  }
0x89: {  	s3 =	sld [smem:$0x3FFE];
	_ =	sdelay $0x1  }
0x8a: {  	s1 =	srdreg.scid  }
0x8b: {  	s0 =	sand.u32 $0x1, s1  }
0x8c: {  	s17 =	sshll.u32 s0, $0xA;
	s2 =	sadd.s32 s3, s2  }
0x8d: {  	s2 =	sadd.s32 s2, s17  }
0x8e: {  	[smem:$0x3FC6] =	sst s2  }
0x8f: {  	_ = 	snop  }
0x90: {  	s2 =	sld [smem:$0x3FC9]  }
0x91: {  	s18 =	sld [smem:$0x3FD0];
	(tm) =	ssettm $0x1  }
0x92: {  	s4 =	sld [smem:$0x3FFB];
	_ =	sdelay $0x3  }
0x93: {  	_ =	strace s4  }
0x94: {  	s4 =	sld [smem:$0x3FFC];
	_ =	sdelay $0x3  }
0x95: {  	_ =	strace s4  }
0x96: {  	s4 =	sld [smem:$0x3FFD];
	_ =	sdelay $0x3  }
0x97: {  	_ =	strace s4  }
0x98: {  	_ =	strace $0x8FFFFFFF  }
0x99: {  	s19 =	sld [smem:$0x3FDB];
	_ =	sdelay $0x1  }
0x9a: {  	s5 =	simm.s32 $_scs_section_size  }
0x9b: {  	s6 =	simm.s32 $_size__tile_overlayer_lowered;
	s7 =	simm.s32 $_tile_overlayer_lowered  }
0x9c: {  	s22 =	simm.s32 $0x1BFF;
	s21 =	sshll.u32 s7, $0x1;
	s4 =	sadd.s32 s5, s19  }
0x9d: {  	s8 =	simm.s32 $0x0;
	s20 =	sshll.u32 s6, $0x1;
	s6 =	sadd.s32 s21, s4  }
0x9e: {  	[timem:s8], [sflag:s22] =	dma.local [hbm:s6], s20  }
0x9f: {  	_ =	swait.ge [sflag:s22], s20  }
0xa0: {  	s5 =	ssub.s32 $0x0, s20;
	[sflag:s22] =	ssyncset.done $0x0  }
0xa1: {  	[sflag:s22] =	ssyncadd.s32 s5;
	_ =	sdelay $0x1  }
0xa2: {  	s23 =	simm.s32 $0x1B8B  }
0xa3: {  	_ =	swait.ge [sflag:s23], $0x1  }
0xa4: {  	[sflag:s23] =	ssyncset.done $0x0  }
0xa5: {  	s25 =	simm.s32 $0x1B8E;
	s24 =	sld [smem:$0x3FFE];
	[sflag:s23] =	ssyncadd.s32 $0xFFFFFFFF  }
0xa6: {  	s26 =	simm.s32 $execute0_lowered;
	[smem:$0x3FD2] =	sst s25  }
0xa7: {  	s6 =	sshll.u32 s26, $0x1;
	_ =	strace $0x80000046;
	[dreg:$0x1] =	wrdreg $0xFFFFFFFF  }
0xa8: {  	s28 =	simm.s32 $_size_execute0_lowered;
	s4 =	sadd.s32 s4, s6;
	[dreg:$0x0] =	wrdreg $0x0  }
0xa9: {  	s6 =	sshll.u32 s28, $0x1;
	[dreg:$0x2] =	wrdreg s4  }
0xaa: {  	[dreg:$0x3] =	wrdreg s6  }
0xab: {  	[dreg:$0x4] =	wrdreg $0xC0  }
0xac: {  	_ =	task [dreg:s8], $0x5FFFF  }
0xad: {  	[dreg:$0x1] =	wrdreg $0xFFFFFFFF  }
0xae: {  	[dreg:$0x0] =	wrdreg $0x60  }
0xaf: {  	[dreg:$0x2] =	wrdreg s2  }
0xb0: {  	[dreg:$0x3] =	wrdreg s24  }
0xb1: {  	[dreg:$0x4] =	wrdreg s18  }
0xb2: {  	[dreg:$0x5] =	wrdreg $0x9  }
0xb3: {  	_ =	task.clear_ibuf [dreg:s8], $0x6FFFF;
	_ =	strace $0x90000046  }
0xb4: {  	s29 =	simm.s32 $0x9;
	_ =	strace $0x80000048  }
0xb5: {  	_ =	swait.ge [sflag:s29], $0x1  }
0xb6: {  	[sflag:s29] =	ssyncadd.s32 $0xFFFFFFFF  }
0xb7: {  	_ =	strace $0x90000048  }
0xb8: {  	_ =	sfence  }
0xb9: {  	s30 =	sld [smem:$0x0];
	_ =	sdelay $0x2  }
0xba: {  	s31 =	sshll.u32 s1, $0xD;
	s1 =	sshrl.u32 s1, $0x2  }
0xbb: {  	s3 =	sand.u32 $0x4000, s31;
	s1 =	sadd.s32 s1, s30  }
0xbc: {  	s0 =	sor.u32 s3, s0;
	s1 =	sshll.u32 s1, $0x11  }
0xbd: {  	s0 =	sor.u32 s1, s0  }
0xbe: {  	s0 =	sadd.s32 $0x8F2B, s0  }
0xbf: {  	[sflag:s0] =	ssyncadd.remote.s32 $0x1  }
0xc0: {  	_ =	sfence.sel $0xFFFF  }
0xc1: {  	[dreg:$0x0] =	wrdreg $0xFFFFFFFF;
	(pc) =	sbr.abs _section_cstart, $3  }
0xc2: {  	[dreg:$0x1] =	wrdreg $0xFFFFFFFF  }
0xc3: {  	_ =	task.clear_ibuf [dreg:s8], $0x2FFFF;
	_ =	strace $0x9FFFFFFF  }
0xc4: {  	(tm) =	ssettm $0x7FFFFFFF  }
0xc5: {  	_ =	shalt  }
tec
execute0_lowered:
.L_overlay_start_1:
0x0: {  	(tag) =	ssettag $0x1  }
0x1: {  	s1 =	rddreg [dreg:$0x0]  }
0x2: {  	s0 =	rddreg [dreg:$0x1]  }
0x3: {  	s4 =	rddreg [dreg:$0x2]  }
0x4: {  	s2 =	srdreg.scid;
	s3 =	stileid.u32  }
0x5: {  	s25 =	simm.s32 $0x0;
	s2 =	sand.u32 $0x1, s2;
	s3 =	sshll.u32 s3, $0xD  }
0x6: {  	[smem:$0x7FF] =	sst s25;
	s0 =	sadd.s32 $0x400, s0;
	s30 =	sadd.s32 $0x4000, s4  }
0x7: {  	s5 =	sshll.u32 s2, $0xC;
	_ =	strace $0x80000047;
	[dreg:$0x5] =	wrdreg s0  }
0x8: {  	s2 =	ssub.s32 $0x2, s2;
	[dreg:$0xa] =	wrdreg s30;
	s5 =	sor.u32 s5, s3  }
0x9: {  	s23 =	sshrl.u32 s2, $0x1;
	s26 =	sor.u32 $0x40000, s5;
	[dreg:$0x4] =	wrdreg s5  }
0xa: {  	s6 =	sshrl.u32 s5, $0x3;
	s29 =	sor.u32 $0x60000, s5;
	[dreg:$0x8] =	wrdreg s26  }
0xb: {  	s24 =	ssub.s32 s2, s23;
	s1 =	sadd.s32 s1, s6;
	[dreg:$0x9] =	wrdreg s29  }
0xc: {  	s0 =	smax.u32 s24, $0x1;
	[dreg:$0x6] =	wrdreg s1  }
0xd: {  	s28 =	sadd.s32 s6, s4;
	s1 =	sadd.s32 $0x4000, s1;
	[dreg:$0xc] =	wrdreg s0  }
0xe: {  	s31 =	sadd.s32 $0x60000, s28;
	[dreg:$0x7] =	wrdreg s1  }
0xf: {  	s3 =	simm.s32 $0x0;
	s2 =	simm.s32 $0x1000;
	[dreg:$0xb] =	wrdreg s31  }
.LBB2_1:
0x10: {  	[dreg:$0xd] =	wrdreg s3  }
0x11: {  	s0 =	rddreg [dreg:$0x5];
	s1 =	simm.s32 $0xC000;
	s29 =	simm.s32 $0x5  }
0x12: {  	[tilespmem:s1], [sflag:$0x5] =	stream.linear.gather [hbm4b:s0+s25], $0x500, $0x38;
	[tilespmem:$0xC800] =	vst v63  }
0x13: {  	_ =	swait.ge [sflag:s29], $0x500  }
0x14: {  	[sflag:s29] =	ssyncset.done $0x0  }
0x15: {  	[sflag:s29] =	ssyncadd.s32 $0xFFFFFB00  }
0x16: {  	v0 =	vld [tilespmem:$0xC000]  }
0x17: {  	v1 =	vld [tilespmem:$0xC080]  }
0x18: {  	v2 =	vld [tilespmem:$0xC100]  }
0x19: {  	v3 =	vld [tilespmem:$0xC180]  }
0x1a: {  	v4 =	vld [tilespmem:$0xC200]  }
0x1b: {  	v5 =	vld [tilespmem:$0xC280]  }
0x1c: {  	v6 =	vld [tilespmem:$0xC300]  }
0x1d: {  	v7 =	vld [tilespmem:$0xC380]  }
0x1e: {  	s30 =	rddreg [dreg:$0x6];
	v8 =	vld [tilespmem:$0xC400]  }
0x1f: {  	v9 =	vld [tilespmem:$0xC480];
	[tilespmem:s25], [sflag:$0x1] =	stream.linear.gather [hbm4b:s30+s25], $0x1000, $0x38  }
0x20: {  	s4 =	simm.s32 $0x0;
	s31 =	rddreg [dreg:$0x7]  }
0x21: {  	[tilespmem:s2], [sflag:$0x2] =	stream.linear.gather [hbm4b:s31+s25], $0x1000, $0x38;
	[tilespmem:$0xC800] =	vst v63  }
.LBB2_2:
0x22: {  	s0 =	simm.s32 $0x1  }
0x23: {  	_ =	swait.ge [sflag:s0], $0x1000  }
0x24: {  	p0 =	seq.s32 s4, $0x0;
	s28 =	simm.s32 $0x0;
	[sflag:s0] =	ssyncset.done $0x0  }
0x25: {  	s2 =	sand.u32 $0x40, s28;
	[sflag:s0] =	ssyncadd.s32 $0xFFFFF000;
	s0 =	simm.s32 @!p0 $0x3  }
0x26: {  	s3 =	sand.u32 $0xC00, s28;
	s6 =	sand.u32 $0x380, s28;
	_ =	swait.ge @!p0 [sflag:s0], $0x5000  }
0x27: {  	s3 =	sor.u32 s6, s3;
	s7 =	sor.u32 $0x30, s2;
	[sflag:s0] =	ssyncset.done @!p0 $0x0  }
0x28: {  	s30 =	sor.u32 s7, s3;
	[sflag:s0] =	ssyncadd.s32 @!p0 $0xFFFFB000  }
0x29: {  	s19 =	sor.u32 s2, s3;
	v10 =	vld [tilespmem:s30+$0x0]  }
0x2a: {  	v11 =	vld [tilespmem:s19+$0x0];
	_ =	sdelay $0x2  }
0x2b: {  	s12 =	sor.u32 $0x10, s2  }
0x2c: {  	s13 =	sor.u32 $0x20, s2;
	s6 =	sor.u32 s12, s3;
	s14 =	sor.u32 $0x6000, s3;
	vm0 =	veq.s32 v10, $0x0  }
0x2d: {  	s29 =	sor.u32 s13, s3;
	s8 =	sor.u32 s7, s14;
	v12 =	vld [tilespmem:s6+$0x0];
	vm1 =	veq.s32 v11, $0x0;
	v10 =	vsel vm0, v4, v9  }
0x2e: {  	s21 =	sor.u32 $0x3000, s3;
	v13 =	vld [tilespmem:s29+$0x0];
	v11 =	vsel vm1, v0, v5;
	[tilespmem:s8+$0x0] =	vst v10  }
0x2f: {  	s20 =	sor.u32 s2, s21;
	v10 =	vsel vm1, v1, v6;
	[tilespmem:s19+$0x2000] =	vst v11  }
0x30: {  	[tilespmem:s20+$0x0] =	vst v10  }
0x31: {  	s1 =	sshll.u32 s4, $0x12;
	s24 =	sor.u32 $0x4000, s3;
	[dreg:$0xe] =	wrdreg s4  }
0x32: {  	s22 =	sor.u32 s2, s24;
	vm2 =	veq.s32 v12, $0x0;
	v11 =	vsel vm1, v2, v7;
	[dreg:$0xf] =	wrdreg s1  }
0x33: {  	s31 =	simm.s32 $0x0;
	s3 =	sor.u32 $0x5000, s3;
	vm3 =	veq.s32 v13, $0x0;
	v13 =	vsel vm2, v0, v5;
	[tilespmem:s22+$0x0] =	vst v11  }
0x34: {  	s23 =	sor.u32 s2, s3;
	s26 =	sor.u32 s12, s21;
	s2 =	sor.u32 s2, s14;
	v12 =	vsel vm1, v3, v8;
	v21 =	vsel vm2, v2, v7;
	v20 =	vsel vm2, v3, v8;
	[tilespmem:s6+$0x2000] =	vst v13  }
0x35: {  	s15 =	sor.u32 s13, s14;
	s0 =	sor.u32 s7, s24;
	v19 =	vsel vm2, v4, v9;
	v18 =	vsel vm3, v0, v5;
	s19 =	sor.u32 s12, s24;
	v11 =	vsel vm1, v4, v9;
	[tilespmem:s23+$0x0] =	vst v12  }
0x36: {  	v17 =	vsel vm3, v1, v6;
	v16 =	vsel vm3, v2, v7;
	s8 =	sor.u32 s13, s21;
	s6 =	sor.u32 s13, s24;
	s22 =	sor.u32 s12, s14;
	[tilespmem:s2+$0x0] =	vst v11;
	v11 =	vsel vm2, v1, v6  }
0x37: {  	v15 =	vsel vm3, v3, v8;
	v14 =	vsel vm3, v4, v9;
	v10 =	vsel vm0, v0, v5;
	s14 =	sor.u32 s7, s3;
	s23 =	sor.u32 s12, s3;
	s12 =	sor.u32 s13, s3;
	[tilespmem:s26+$0x0] =	vst v11  }
0x38: {  	v13 =	vsel vm0, v1, v6;
	v12 =	vsel vm0, v2, v7;
	s13 =	simm.s32 $0x40;
	s2 =	sor.u32 s7, s21;
	s7 =	simm.s32 $0x0;
	v11 =	vsel vm0, v3, v8;
	[tilespmem:s19+$0x0] =	vst v21  }
.LBB2_3:
0x39: {  	s19 =	sand.u32 $0x40, s13;
	[tilespmem:s23+$0x0] =	vst v20;
	s28 =	sadd.s32 $0x200, s28;
	s7 =	sadd.s32 $0x10, s7  }
0x3a: {  	s31 =	sadd.s32 $0x4, s31;
	s3 =	sand.u32 $0xC00, s28;
	s21 =	sand.u32 $0x380, s7;
	[tilespmem:s22+$0x0] =	vst v19  }
0x3b: {  	s1 =	sor.u32 $0x30, s19;
	p1 =	slt.u32 s31, $0xFC;
	s21 =	sor.u32 s21, s3;
	[tilespmem:s29+$0x2000] =	vst v18  }
0x3c: {  	s22 =	sor.u32 $0x10, s19;
	s10 =	sor.u32 $0x20, s19;
	s5 =	sor.u32 s1, s21;
	[tilespmem:s8+$0x0] =	vst v17  }
0x3d: {  	s9 =	sor.u32 s19, s21;
	s24 =	sor.u32 s22, s21;
	s29 =	sor.u32 s10, s21;
	v17 =	vld [tilespmem:s5+$0x0];
	[tilespmem:s6+$0x0] =	vst v16  }
0x3e: {  	s11 =	sor.u32 $0x3000, s21;
	s4 =	sor.u32 $0x4000, s21;
	s18 =	sor.u32 $0x5000, s21;
	v16 =	vld [tilespmem:s9+$0x0];
	[tilespmem:s12+$0x0] =	vst v15  }
0x3f: {  	s20 =	sor.u32 s19, s11;
	s16 =	sor.u32 s19, s4;
	s17 =	sor.u32 s19, s18;
	v15 =	vld [tilespmem:s24+$0x0];
	[tilespmem:s15+$0x0] =	vst v14  }
0x40: {  	s26 =	sor.u32 s22, s11;
	s3 =	sor.u32 s22, s4;
	s23 =	sor.u32 s22, s18;
	v14 =	vld [tilespmem:s29+$0x0];
	[tilespmem:s30+$0x2000] =	vst v10  }
0x41: {  	s8 =	sor.u32 s10, s11;
	s6 =	sor.u32 s10, s4;
	s12 =	sor.u32 s10, s18;
	[tilespmem:s2+$0x0] =	vst v13  }
0x42: {  	s15 =	sor.u32 $0x6000, s21;
	s2 =	sor.u32 s1, s11;
	vm0 =	veq.s32 v17, $0x0;
	[tilespmem:s0+$0x0] =	vst v12;
	s0 =	sor.u32 s1, s4  }
0x43: {  	s22 =	sor.u32 s22, s15;
	s11 =	sor.u32 s1, s15;
	s4 =	sor.u32 s19, s15;
	vm1 =	veq.s32 v16, $0x0;
	v10 =	vsel vm0, v0, v5;
	v12 =	vsel vm0, v4, v9;
	[tilespmem:s14+$0x0] =	vst v11  }
0x44: {  	s30 =	smov.u32 s5;
	s15 =	sor.u32 s10, s15;
	s14 =	sor.u32 s1, s18;
	v11 =	vsel vm1, v0, v5;
	v13 =	vsel vm1, v1, v6;
	vm2 =	veq.s32 v15, $0x0;
	[tilespmem:s11+$0x0] =	vst v12  }
0x45: {  	v12 =	vsel vm1, v3, v8;
	[tilespmem:s9+$0x2000] =	vst v11;
	v11 =	vsel vm1, v2, v7;
	vm3 =	veq.s32 v14, $0x0  }
0x46: {  	v21 =	vsel vm2, v0, v5;
	v22 =	vsel vm2, v1, v6;
	[tilespmem:s20+$0x0] =	vst v13;
	v13 =	vsel vm1, v4, v9  }
0x47: {  	v23 =	vsel vm2, v2, v7;
	v20 =	vsel vm2, v3, v8;
	v19 =	vsel vm2, v4, v9;
	[tilespmem:s16+$0x0] =	vst v11  }
.Ltmp0:
0x48: {  	v18 =	vsel vm3, v0, v5;
	v17 =	vsel vm3, v1, v6;
	v16 =	vsel vm3, v2, v7;
	[tilespmem:s17+$0x0] =	vst v12;
	(pc) =	sbr.rel @p1 .LBB2_3-.Ltmp0, $4  }
0x49: {  	v15 =	vsel vm3, v3, v8;
	v14 =	vsel vm3, v4, v9;
	[tilespmem:s4+$0x0] =	vst v13;
	v13 =	vsel vm0, v1, v6  }
0x4a: {  	v11 =	vsel vm0, v3, v8;
	v12 =	vsel vm0, v2, v7;
	[tilespmem:s24+$0x2000] =	vst v21  }
0x4b: {  	[tilespmem:s26+$0x0] =	vst v22  }
0x4c: {  	s13 =	sadd.s32 $0x40, s13;
	[tilespmem:s3+$0x0] =	vst v23  }
0x4d: {  	[tilespmem:s23+$0x0] =	vst v20  }
0x4e: {  	[tilespmem:s29+$0x2000] =	vst v18  }
0x4f: {  	[tilespmem:s30+$0x2000] =	vst v10  }
0x50: {  	[tilespmem:s22+$0x0] =	vst v19  }
0x51: {  	[tilespmem:s8+$0x0] =	vst v17  }
0x52: {  	[tilespmem:s2+$0x0] =	vst v13  }
0x53: {  	[tilespmem:s6+$0x0] =	vst v16  }
0x54: {  	[tilespmem:s12+$0x0] =	vst v15  }
0x55: {  	[tilespmem:s15+$0x0] =	vst v14  }
0x56: {  	s1 =	rddreg [dreg:$0x4]  }
0x57: {  	s4 =	rddreg [dreg:$0xf]  }
0x58: {  	s10 =	rddreg [dreg:$0x2];
	[tilespmem:s0+$0x0] =	vst v12;
	s1 =	sor.u32 s1, s4  }
0x59: {  	s11 =	simm.s32 $0x1000;
	s3 =	simm.s32 $0x2000;
	[tilespmem:s14+$0x0] =	vst v11;
	s1 =	sshrl.u32 s1, $0x3  }
0x5a: {  	s12 =	simm.s32 $0x320000;
	s13 =	rddreg [dreg:$0x8];
	s0 =	sadd.s32 s10, s1  }
0x5b: {  	[hbm4b:s0+s11] =	stream.strided.scatter [tilespmem:s3], [sflag:$0x3], $0x5000, s12, s11, $0x38;
	[tilespmem:$0xC800] =	vst v63  }
0x5c: {  	s0 =	sadd.s32 s13, s4  }
0x5d: {  	s14 =	rddreg [dreg:$0x0];
	s0 =	sshrl.u32 s0, $0x3  }
0x5e: {  	s15 =	simm.s32 $0x2;
	[dreg:$0x10] =	wrdreg s1;
	s0 =	sadd.s32 s14, s0  }
0x5f: {  	[tilespmem:s25], [sflag:$0x1] =	stream.linear.gather [hbm4b:s0+s25], $0x1000, $0x38;
	[tilespmem:$0xC800] =	vst v63  }
0x60: {  	_ =	swait.ge [sflag:s15], $0x1000  }
0x61: {  	s29 =	simm.s32 $0x0;
	[sflag:s15] =	ssyncset.done $0x0  }
0x62: {  	s16 =	sand.u32 $0x40, s29;
	s0 =	simm.s32 @!p0 $0x4;
	[sflag:s15] =	ssyncadd.s32 $0xFFFFF000  }
0x63: {  	s17 =	sand.u32 $0xC00, s29;
	s18 =	sand.u32 $0x380, s29;
	_ =	swait.ge @!p0 [sflag:s0], $0x5000  }
0x64: {  	s2 =	sor.u32 s18, s17;
	s19 =	sor.u32 $0x30, s16;
	[sflag:s0] =	ssyncset.done @!p0 $0x0  }
0x65: {  	s31 =	sor.u32 s19, s2;
	[sflag:s0] =	ssyncadd.s32 @!p0 $0xFFFFB000  }
0x66: {  	s21 =	sor.u32 $0x10, s16;
	s20 =	sor.u32 s16, s2;
	v10 =	vld [tilespmem:s31+$0x1000]  }
0x67: {  	s5 =	sor.u32 $0x20, s16;
	s23 =	sor.u32 s21, s2;
	v11 =	vld [tilespmem:s20+$0x1000]  }
0x68: {  	s30 =	sor.u32 s5, s2;
	v12 =	vld [tilespmem:s23+$0x1000]  }
0x69: {  	v13 =	vld [tilespmem:s30+$0x1000];
	_ =	sdelay $0x1  }
0x6a: {  	s7 =	sor.u32 $0xB000, s2;
	vm0 =	veq.s32 v10, $0x0  }
0x6b: {  	s24 =	sor.u32 s19, s7;
	vm1 =	veq.s32 v11, $0x0;
	v10 =	vsel vm0, v4, v9  }
0x6c: {  	vm2 =	veq.s32 v12, $0x0;
	v11 =	vsel vm1, v0, v5;
	[tilespmem:s24+$0x0] =	vst v10  }
0x6d: {  	s9 =	sor.u32 $0x8000, s2;
	vm3 =	veq.s32 v13, $0x0;
	v13 =	vsel vm2, v0, v5;
	[tilespmem:s20+$0x7000] =	vst v11  }
0x6e: {  	s10 =	sor.u32 $0x9000, s2;
	s25 =	sor.u32 s16, s9;
	v10 =	vsel vm1, v1, v6;
	[tilespmem:s23+$0x7000] =	vst v13  }
0x6f: {  	s1 =	sor.u32 s16, s7;
	s11 =	sor.u32 $0xA000, s2;
	s26 =	sor.u32 s16, s10;
	v11 =	vsel vm1, v2, v7;
	[tilespmem:s25+$0x0] =	vst v10  }
0x70: {  	s13 =	sor.u32 s21, s9;
	s28 =	sor.u32 s21, s10;
	s2 =	sor.u32 s16, s11;
	v12 =	vsel vm1, v3, v8;
	v21 =	vsel vm2, v2, v7;
	v20 =	vsel vm2, v3, v8;
	[tilespmem:s26+$0x0] =	vst v11  }
0x71: {  	s12 =	sor.u32 s5, s9;
	s8 =	sor.u32 s5, s10;
	s22 =	sor.u32 s21, s11;
	v19 =	vsel vm2, v4, v9;
	v18 =	vsel vm3, v0, v5;
	v11 =	vsel vm1, v4, v9;
	[tilespmem:s2+$0x0] =	vst v12  }
0x72: {  	s6 =	sor.u32 s19, s11;
	s14 =	sor.u32 s19, s9;
	s15 =	simm.s32 $0x0;
	v17 =	vsel vm3, v1, v6;
	v16 =	vsel vm3, v2, v7;
	[tilespmem:s1+$0x0] =	vst v11;
	v11 =	vsel vm2, v1, v6  }
0x73: {  	s0 =	simm.s32 $0x0;
	v15 =	vsel vm3, v3, v8;
	v14 =	vsel vm3, v4, v9;
	s24 =	sor.u32 s21, s7;
	s23 =	sor.u32 s5, s7;
	v13 =	vsel vm0, v1, v6;
	[tilespmem:s13+$0x0] =	vst v11  }
0x74: {  	s7 =	simm.s32 $0x40;
	v10 =	vsel vm0, v0, v5;
	s2 =	sor.u32 s19, s10;
	v12 =	vsel vm0, v2, v7;
	s13 =	sor.u32 s5, s11;
	v11 =	vsel vm0, v3, v8;
	[tilespmem:s28+$0x0] =	vst v21  }
.LBB2_5:
0x75: {  	s1 =	sand.u32 $0x40, s7;
	[tilespmem:s22+$0x0] =	vst v20;
	s29 =	sadd.s32 $0x200, s29;
	s15 =	sadd.s32 $0x10, s15  }
0x76: {  	s0 =	sadd.s32 $0x4, s0;
	s3 =	sand.u32 $0xC00, s29;
	s4 =	sand.u32 $0x380, s15;
	[tilespmem:s24+$0x0] =	vst v19  }
0x77: {  	s5 =	sor.u32 $0x30, s1;
	p0 =	slt.u32 s0, $0xFC;
	s4 =	sor.u32 s4, s3;
	[tilespmem:s30+$0x7000] =	vst v18  }
0x78: {  	s9 =	sor.u32 $0x10, s1;
	s10 =	sor.u32 $0x20, s1;
	s11 =	sor.u32 s5, s4;
	[tilespmem:s12+$0x0] =	vst v17  }
0x79: {  	s16 =	sor.u32 s1, s4;
	s3 =	sor.u32 s9, s4;
	s30 =	sor.u32 s10, s4;
	v17 =	vld [tilespmem:s11+$0x1000];
	[tilespmem:s8+$0x0] =	vst v16  }
0x7a: {  	s17 =	sor.u32 $0x8000, s4;
	s18 =	sor.u32 $0x9000, s4;
	s19 =	sor.u32 $0xA000, s4;
	v16 =	vld [tilespmem:s16+$0x1000];
	[tilespmem:s13+$0x0] =	vst v15  }
0x7b: {  	s20 =	sor.u32 s1, s17;
	s26 =	sor.u32 s1, s18;
	s25 =	sor.u32 s1, s19;
	v15 =	vld [tilespmem:s3+$0x1000];
	[tilespmem:s23+$0x0] =	vst v14  }
0x7c: {  	s28 =	sor.u32 s9, s17;
	s21 =	sor.u32 s9, s18;
	s22 =	sor.u32 s9, s19;
	v14 =	vld [tilespmem:s30+$0x1000];
	[tilespmem:s31+$0x7000] =	vst v10  }
0x7d: {  	s12 =	sor.u32 s10, s17;
	s8 =	sor.u32 s10, s18;
	s13 =	sor.u32 s10, s19;
	[tilespmem:s14+$0x0] =	vst v13  }
0x7e: {  	s4 =	sor.u32 $0xB000, s4;
	s14 =	sor.u32 s5, s17;
	vm0 =	veq.s32 v17, $0x0;
	[tilespmem:s2+$0x0] =	vst v12;
	s2 =	sor.u32 s5, s18  }
0x7f: {  	s1 =	sor.u32 s1, s4;
	s24 =	sor.u32 s9, s4;
	s9 =	sor.u32 s5, s4;
	vm1 =	veq.s32 v16, $0x0;
	v10 =	vsel vm0, v0, v5;
	v12 =	vsel vm0, v4, v9;
	[tilespmem:s6+$0x0] =	vst v11  }
0x80: {  	s23 =	sor.u32 s10, s4;
	s31 =	smov.u32 s11;
	s6 =	sor.u32 s5, s19;
	v11 =	vsel vm1, v0, v5;
	v13 =	vsel vm1, v1, v6;
	vm2 =	veq.s32 v15, $0x0;
	[tilespmem:s9+$0x0] =	vst v12  }
0x81: {  	v12 =	vsel vm1, v3, v8;
	[tilespmem:s16+$0x7000] =	vst v11;
	v11 =	vsel vm1, v2, v7;
	vm3 =	veq.s32 v14, $0x0  }
0x82: {  	v21 =	vsel vm2, v0, v5;
	v22 =	vsel vm2, v1, v6;
	[tilespmem:s20+$0x0] =	vst v13;
	v13 =	vsel vm1, v4, v9  }
0x83: {  	v23 =	vsel vm2, v2, v7;
	v20 =	vsel vm2, v3, v8;
	v19 =	vsel vm2, v4, v9;
	[tilespmem:s26+$0x0] =	vst v11  }
.Ltmp1:
0x84: {  	v18 =	vsel vm3, v0, v5;
	v17 =	vsel vm3, v1, v6;
	v16 =	vsel vm3, v2, v7;
	[tilespmem:s25+$0x0] =	vst v12;
	(pc) =	sbr.rel @p0 .LBB2_5-.Ltmp1, $4  }
0x85: {  	v15 =	vsel vm3, v3, v8;
	v14 =	vsel vm3, v4, v9;
	[tilespmem:s1+$0x0] =	vst v13;
	v13 =	vsel vm0, v1, v6  }
0x86: {  	v11 =	vsel vm0, v3, v8;
	v12 =	vsel vm0, v2, v7;
	[tilespmem:s3+$0x7000] =	vst v21  }
0x87: {  	[tilespmem:s28+$0x0] =	vst v22  }
0x88: {  	s7 =	sadd.s32 $0x40, s7;
	[tilespmem:s21+$0x0] =	vst v23  }
0x89: {  	[tilespmem:s22+$0x0] =	vst v20  }
0x8a: {  	[tilespmem:s30+$0x7000] =	vst v18  }
0x8b: {  	[tilespmem:s31+$0x7000] =	vst v10  }
0x8c: {  	[tilespmem:s24+$0x0] =	vst v19  }
0x8d: {  	[tilespmem:s12+$0x0] =	vst v17  }
0x8e: {  	[tilespmem:s14+$0x0] =	vst v13  }
0x8f: {  	[tilespmem:s8+$0x0] =	vst v16  }
0x90: {  	[tilespmem:s2+$0x0] =	vst v12  }
0x91: {  	[tilespmem:s13+$0x0] =	vst v15  }
0x92: {  	[tilespmem:s6+$0x0] =	vst v11  }
0x93: {  	[tilespmem:s23+$0x0] =	vst v14  }
0x94: {  	s4 =	rddreg [dreg:$0xe]  }
0x95: {  	p0 =	seq.s32 s4, $0xB  }
.Ltmp2:
0x96: {  	_ = 	snop;
	(pc) =	sbr.rel @p0 .LBB2_8-.Ltmp2, $4  }
0x97: {  	s0 =	rddreg [dreg:$0xa]  }
0x98: {  	s31 =	simm.s32 $0x320000;
	s1 =	rddreg [dreg:$0x10]  }
0x99: {  	s3 =	simm.s32 $0x7000;
	s2 =	simm.s32 $0x1000;
	s0 =	sadd.s32 s1, s0  }
0x9a: {  	[hbm4b:s0+s2] =	stream.strided.scatter [tilespmem:s3], [sflag:$0x4], $0x5000, s31, s2, $0x38;
	[tilespmem:$0xC800] =	vst v63  }
0x9b: {  	s0 =	rddreg [dreg:$0x9]  }
.Ltmp3:
0x9c: {  	s1 =	rddreg [dreg:$0xf];
	(pc) =	sbr.rel .LBB2_2-.Ltmp3, $4  }
0x9d: {  	s0 =	sadd.s32 s0, s1  }
0x9e: {  	s31 =	rddreg [dreg:$0x0];
	s0 =	sshrl.u32 s0, $0x3  }
0x9f: {  	s25 =	simm.s32 $0x0;
	s4 =	sadd.s32 $0x1, s4;
	s0 =	sadd.s32 s31, s0  }
0xa0: {  	[tilespmem:s2], [sflag:$0x2] =	stream.linear.gather [hbm4b:s0+s25], $0x1000, $0x38;
	[tilespmem:$0xC800] =	vst v63  }
.LBB2_8:
0xa1: {  	s0 =	simm.s32 $0x1  }
0xa2: {  	_ =	swait.ge [sflag:s0], $0x1000  }
0xa3: {  	s25 =	simm.s32 $0x0;
	[sflag:s0] =	ssyncset.done $0x0  }
0xa4: {  	s3 =	simm.s32 $0x3;
	s1 =	sand.u32 $0x40, s25;
	[sflag:s0] =	ssyncadd.s32 $0xFFFFF000  }
0xa5: {  	s19 =	sand.u32 $0xC00, s25;
	s2 =	sand.u32 $0x380, s25;
	_ =	swait.ge [sflag:s3], $0x5000  }
0xa6: {  	s20 =	sor.u32 $0x30, s1;
	s0 =	sor.u32 s2, s19;
	[sflag:s3] =	ssyncset.done $0x0  }
0xa7: {  	s28 =	sor.u32 s20, s0;
	[sflag:s3] =	ssyncadd.s32 $0xFFFFB000  }
0xa8: {  	s4 =	sor.u32 $0x10, s1;
	s21 =	sor.u32 s1, s0;
	v10 =	vld [tilespmem:s28+$0x0]  }
0xa9: {  	s5 =	sor.u32 $0x20, s1;
	s7 =	sor.u32 s4, s0;
	v11 =	vld [tilespmem:s21+$0x0]  }
0xaa: {  	s26 =	sor.u32 s5, s0;
	v12 =	vld [tilespmem:s7+$0x0]  }
0xab: {  	v13 =	vld [tilespmem:s26+$0x0];
	_ =	sdelay $0x1  }
0xac: {  	s9 =	sor.u32 $0x6000, s0;
	vm0 =	veq.s32 v10, $0x0  }
0xad: {  	s6 =	sor.u32 s20, s9;
	vm1 =	veq.s32 v11, $0x0;
	v10 =	vsel vm0, v4, v9  }
0xae: {  	vm2 =	veq.s32 v12, $0x0;
	v11 =	vsel vm1, v0, v5;
	[tilespmem:s6+$0x0] =	vst v10  }
0xaf: {  	s10 =	sor.u32 $0x3000, s0;
	vm3 =	veq.s32 v13, $0x0;
	v13 =	vsel vm2, v0, v5;
	[tilespmem:s21+$0x2000] =	vst v11  }
0xb0: {  	s11 =	sor.u32 $0x4000, s0;
	s22 =	sor.u32 s1, s10;
	v10 =	vsel vm1, v1, v6;
	[tilespmem:s7+$0x2000] =	vst v13  }
0xb1: {  	s23 =	sor.u32 $0x5000, s0;
	s0 =	simm.s32 $0x0;
	s24 =	sor.u32 s1, s11;
	v11 =	vsel vm1, v2, v7;
	[tilespmem:s22+$0x0] =	vst v10  }
0xb2: {  	s31 =	sor.u32 s1, s23;
	s12 =	sor.u32 s4, s10;
	s1 =	sor.u32 s1, s9;
	v12 =	vsel vm1, v3, v8;
	v21 =	vsel vm2, v2, v7;
	v20 =	vsel vm2, v3, v8;
	[tilespmem:s24+$0x0] =	vst v11  }
0xb3: {  	s16 =	sor.u32 s4, s11;
	s13 =	sor.u32 s4, s23;
	s8 =	sor.u32 s5, s10;
	v19 =	vsel vm2, v4, v9;
	v18 =	vsel vm3, v0, v5;
	v11 =	vsel vm1, v4, v9;
	[tilespmem:s31+$0x0] =	vst v12  }
0xb4: {  	s14 =	sor.u32 s5, s11;
	s29 =	sor.u32 s20, s10;
	s30 =	sor.u32 s20, s11;
	v17 =	vsel vm3, v1, v6;
	v16 =	vsel vm3, v2, v7;
	v12 =	vsel vm2, v1, v6;
	[tilespmem:s1+$0x0] =	vst v11  }
0xb5: {  	s15 =	sor.u32 s5, s9;
	s2 =	sor.u32 s20, s23;
	v15 =	vsel vm3, v3, v8;
	v14 =	vsel vm3, v4, v9;
	s6 =	sor.u32 s5, s23;
	v13 =	vsel vm0, v1, v6;
	[tilespmem:s12+$0x0] =	vst v12  }
0xb6: {  	s7 =	simm.s32 $0x40;
	v10 =	vsel vm0, v0, v5;
	s22 =	sor.u32 s4, s9;
	v12 =	vsel vm0, v2, v7;
	v11 =	vsel vm0, v3, v8;
	s12 =	simm.s32 $0x0;
	[tilespmem:s16+$0x0] =	vst v21  }
.LBB2_9:
0xb7: {  	s1 =	sand.u32 $0x40, s7;
	[tilespmem:s13+$0x0] =	vst v20;
	s25 =	sadd.s32 $0x200, s25;
	s12 =	sadd.s32 $0x10, s12  }
0xb8: {  	s0 =	sadd.s32 $0x4, s0;
	s3 =	sand.u32 $0xC00, s25;
	s4 =	sand.u32 $0x380, s12;
	[tilespmem:s22+$0x0] =	vst v19  }
0xb9: {  	s5 =	sor.u32 $0x30, s1;
	p0 =	slt.u32 s0, $0xFC;
	s4 =	sor.u32 s4, s3;
	[tilespmem:s26+$0x2000] =	vst v18  }
0xba: {  	s9 =	sor.u32 $0x10, s1;
	s10 =	sor.u32 $0x20, s1;
	s11 =	sor.u32 s5, s4;
	[tilespmem:s8+$0x0] =	vst v17  }
0xbb: {  	s16 =	sor.u32 s1, s4;
	s3 =	sor.u32 s9, s4;
	s26 =	sor.u32 s10, s4;
	v17 =	vld [tilespmem:s11+$0x0];
	[tilespmem:s14+$0x0] =	vst v16  }
0xbc: {  	s17 =	sor.u32 $0x3000, s4;
	s18 =	sor.u32 $0x4000, s4;
	s19 =	sor.u32 $0x5000, s4;
	v16 =	vld [tilespmem:s16+$0x0];
	[tilespmem:s6+$0x0] =	vst v15  }
0xbd: {  	s20 =	sor.u32 s1, s17;
	s23 =	sor.u32 s1, s18;
	s24 =	sor.u32 s1, s19;
	v15 =	vld [tilespmem:s3+$0x0];
	[tilespmem:s15+$0x0] =	vst v14  }
0xbe: {  	s31 =	sor.u32 s9, s17;
	s21 =	sor.u32 s9, s18;
	s13 =	sor.u32 s9, s19;
	v14 =	vld [tilespmem:s26+$0x0];
	[tilespmem:s28+$0x2000] =	vst v10  }
0xbf: {  	s8 =	sor.u32 s10, s17;
	s14 =	sor.u32 s10, s18;
	s6 =	sor.u32 s10, s19;
	[tilespmem:s29+$0x0] =	vst v13  }
0xc0: {  	s4 =	sor.u32 $0x6000, s4;
	s29 =	sor.u32 s5, s17;
	vm0 =	veq.s32 v17, $0x0;
	[tilespmem:s30+$0x0] =	vst v12;
	s30 =	sor.u32 s5, s18  }
0xc1: {  	s1 =	sor.u32 s1, s4;
	s22 =	sor.u32 s9, s4;
	s9 =	sor.u32 s5, s4;
	vm1 =	veq.s32 v16, $0x0;
	v10 =	vsel vm0, v0, v5;
	v12 =	vsel vm0, v4, v9;
	[tilespmem:s2+$0x0] =	vst v11  }
0xc2: {  	s15 =	sor.u32 s10, s4;
	s28 =	smov.u32 s11;
	s2 =	sor.u32 s5, s19;
	v11 =	vsel vm1, v0, v5;
	v13 =	vsel vm1, v1, v6;
	vm2 =	veq.s32 v15, $0x0;
	[tilespmem:s9+$0x0] =	vst v12  }
0xc3: {  	v12 =	vsel vm1, v3, v8;
	[tilespmem:s16+$0x2000] =	vst v11;
	v11 =	vsel vm1, v2, v7;
	vm3 =	veq.s32 v14, $0x0  }
0xc4: {  	v21 =	vsel vm2, v0, v5;
	v22 =	vsel vm2, v1, v6;
	[tilespmem:s20+$0x0] =	vst v13;
	v13 =	vsel vm1, v4, v9  }
0xc5: {  	v23 =	vsel vm2, v2, v7;
	v20 =	vsel vm2, v3, v8;
	v19 =	vsel vm2, v4, v9;
	[tilespmem:s23+$0x0] =	vst v11  }
.Ltmp4:
0xc6: {  	v18 =	vsel vm3, v0, v5;
	v17 =	vsel vm3, v1, v6;
	v16 =	vsel vm3, v2, v7;
	[tilespmem:s24+$0x0] =	vst v12;
	(pc) =	sbr.rel @p0 .LBB2_9-.Ltmp4, $4  }
0xc7: {  	v15 =	vsel vm3, v3, v8;
	v14 =	vsel vm3, v4, v9;
	[tilespmem:s1+$0x0] =	vst v13;
	v13 =	vsel vm0, v1, v6  }
0xc8: {  	v11 =	vsel vm0, v3, v8;
	v12 =	vsel vm0, v2, v7;
	[tilespmem:s3+$0x2000] =	vst v21  }
0xc9: {  	[tilespmem:s31+$0x0] =	vst v22  }
0xca: {  	s7 =	sadd.s32 $0x40, s7;
	[tilespmem:s21+$0x0] =	vst v23  }
0xcb: {  	[tilespmem:s13+$0x0] =	vst v20  }
0xcc: {  	[tilespmem:s26+$0x2000] =	vst v18  }
0xcd: {  	[tilespmem:s28+$0x2000] =	vst v10  }
0xce: {  	[tilespmem:s22+$0x0] =	vst v19  }
0xcf: {  	[tilespmem:s8+$0x0] =	vst v17  }
0xd0: {  	[tilespmem:s29+$0x0] =	vst v13  }
0xd1: {  	[tilespmem:s14+$0x0] =	vst v16  }
0xd2: {  	[tilespmem:s30+$0x0] =	vst v12  }
0xd3: {  	[tilespmem:s6+$0x0] =	vst v15  }
0xd4: {  	[tilespmem:s2+$0x0] =	vst v11  }
0xd5: {  	s1 =	simm.s32 $0x320000;
	s3 =	simm.s32 $0x2000;
	[tilespmem:s15+$0x0] =	vst v14  }
0xd6: {  	s28 =	simm.s32 $0x4;
	s2 =	simm.s32 $0x1000;
	s0 =	rddreg [dreg:$0xb]  }
0xd7: {  	[hbm4b:s0+s2] =	stream.strided.scatter [tilespmem:s3], [sflag:$0x3], $0x5000, s1, s2, $0x38;
	[tilespmem:$0xC800] =	vst v63  }
0xd8: {  	_ =	swait.ge [sflag:s28], $0x5000  }
0xd9: {  	[sflag:s28] =	ssyncset.done $0x0  }
0xda: {  	s29 =	simm.s32 $0x3;
	[sflag:s28] =	ssyncadd.s32 $0xFFFFB000  }
0xdb: {  	_ =	swait.ge [sflag:s29], $0x5000  }
0xdc: {  	s30 =	rddreg [dreg:$0xd]  }
0xdd: {  	s31 =	rddreg [dreg:$0xc];
	s3 =	sadd.s32 $0x1, s30  }
0xde: {  	p0 =	sne.s32 s3, s31  }
.Ltmp5:
0xdf: {  	_ = 	snop;
	(pc) =	sbr.rel @p0 .LBB2_1-.Ltmp5, $3  }
0xe0: {  	_ =	sdelay $0x1  }
0xe1: {  	[sflag:s29] =	ssyncset.done $0x0  }
0xe2: {  	s25 =	simm.s32 $0x0;
	[sflag:s29] =	ssyncadd.s32 $0xFFFFB000  }
0xe3: {  	_ =	sfence.sel $0x180000  }
0xe4: {  	[bflag:$0x0] =	sbarrier.arrive $0xFFFF  }
0xe5: {  	_ =	strace $0x90000047  }
0xe6: {  	s0 =	stileid.u32;
	[bflag:$0x2] =	sbarrier.arrive $0xFFFF  }
0xe7: {  	p0 =	sne.s32 s0, $0x0;
	s0 =	rddreg [dreg:$0x3]  }
0xe8: {  	s0 =	sadd.s32 @!p0 $0x100000, s0  }
0xe9: {  	[sflag:s0] =	ssyncadd.tile.s32 @!p0 $0x1;
	_ =	shalt  }
.Lfunc_end2:
_tile_overlayer_lowered:
.L_overlay_start_2:
0xea: {  	(tag) =	ssettag $0x2  }
0xeb: {  	s0 =	rddreg [dreg:$0x0];
	s2 =	stileid.u32  }
0xec: {  	s1 =	rddreg [dreg:$0x1];
	p0 =	sne.s32 s2, $0x0  }
0xed: {  	s3 =	rddreg [dreg:$0x2];
	[bflag:$0x3] =	sbarrier.arrive $0xFFFF;
	s2 =	simm.s32 @!p0 $0x1C05  }
0xee: {  	[timem:s3], [sflag:s2] =	dma.local @!p0 [hbm:s0], s1  }
0xef: {  	s0 =	simm.s32 @!p0 $0x5  }
0xf0: {  	_ =	swait.ge @!p0 [sflag:s0], s1  }
0xf1: {  	s1 =	ssub.s32 @!p0 $0x0, s1;
	[sflag:s0] =	ssyncset.done @!p0 $0x0  }
0xf2: {  	[sflag:s0] =	ssyncadd.s32 @!p0 s1  }
0xf3: {  	[bflag:$0x3] =	sbarrier.arrive $0xFFFF  }
0xf4: {  	_ =	shalt  }

</sc_bundles>
